<compile_context>
chip_gen: v7x
topology: tpu7x:2x2x1
jax: 0.10.2.dev20260603
libtpu: 0.0.44.dev20260713+nightly
codegen_flags: <defaults>
</compile_context>

<pallas_src>
import dataclasses
import functools

import jax
import jax.numpy as jnp
from jax import lax
from jax.experimental import pallas as pl
from jax.experimental.pallas import tpu as pltpu
from jax.experimental.pallas import tpu_sc as plsc

_TOKENS = 4 * 8192
_CH = 1024

_SC_TOKENS = 16384
_TC_TOKENS = _TOKENS - _SC_TOKENS

_TC_BLK = 1024
_TC_DATA_STEPS = _TC_TOKENS // _TC_BLK
_TC_STEPS = _TOKENS // _TC_BLK

_NC, _NS, _L = 2, 16, 16
_NW = _NC * _NS
_W = _SC_TOKENS // _NW
_G = 16


def _tc_kernel(p_ref, t_ref, m_ref, sq_ref, cnt_ref):
    i = pl.program_id(0)

    @pl.when(i == 0)
    def _init():
        sq_ref[0, 0] = 0.0
        cnt_ref[0, 0] = 0.0

    m = m_ref[0, 0]
    cnt_ref[0, 0] += jnp.sum(m)

    @pl.when(i < _TC_DATA_STEPS)
    def _data():
        d = p_ref[...] - t_ref[...]
        row_sq = jnp.sum(d * d, axis=1)
        sq_ref[0, 0] += jnp.sum(row_sq * m)


def _tc_call(pred, tgt, m_full):
    return pl.pallas_call(
        _tc_kernel,
        grid=(_TC_STEPS,),
        in_specs=[
            pl.BlockSpec((_TC_BLK, _CH),
                         lambda i: (jnp.minimum(i, _TC_DATA_STEPS - 1), 0)),
            pl.BlockSpec((_TC_BLK, _CH),
                         lambda i: (jnp.minimum(i, _TC_DATA_STEPS - 1), 0)),
            pl.BlockSpec((1, 1, _TC_BLK), lambda i: (i, 0, 0)),
        ],
        out_specs=[
            pl.BlockSpec(memory_space=pltpu.SMEM),
            pl.BlockSpec(memory_space=pltpu.SMEM),
        ],
        out_shape=[
            jax.ShapeDtypeStruct((1, 1), jnp.float32),
            jax.ShapeDtypeStruct((1, 1), jnp.float32),
        ],
    )(pred, tgt, m_full)


def _sc_call(pred, tgt, m_i32):
    mesh = plsc.VectorSubcoreMesh(core_axis_name="c", subcore_axis_name="s")
    cp = pltpu.CompilerParams()
    if "needs_layout_passes" in pltpu.CompilerParams.__dataclass_fields__:
        cp = dataclasses.replace(cp, needs_layout_passes=False)

    @functools.partial(
        pl.kernel,
        mesh=mesh,
        compiler_params=cp,
        out_type=jax.ShapeDtypeStruct((_NC, _NS, _L), jnp.float32),
        scratch_types=[
            pltpu.VMEM((_L,), jnp.float32),
            pltpu.VMEM((_W,), jnp.int32),
            pltpu.VMEM((_W + _G,), jnp.int32),
            pltpu.VMEM((_G, _CH), jnp.float32),
            pltpu.VMEM((_G, _CH), jnp.float32),
            pltpu.VMEM((_G, _CH), jnp.float32),
            pltpu.VMEM((_G, _CH), jnp.float32),
            pltpu.SemaphoreType.DMA,
            pltpu.SemaphoreType.DMA,
            pltpu.SemaphoreType.DMA,
            pltpu.SemaphoreType.DMA,
            pltpu.SemaphoreType.DMA,
        ],
    )
    def sc_kernel(p_hbm, t_hbm, m_hbm, o_hbm, acc_ref, m_v, idx_v,
                  pb0, pb1, tb0, tb1, sem_m, sp0, sp1, st0, st1):
        c = lax.axis_index("c")
        s = lax.axis_index("s")
        wid = s * _NC + c
        tok0 = _TC_TOKENS + wid * _W

        acc_ref[...] = jnp.zeros((_L,), jnp.float32)
        pltpu.make_async_copy(m_hbm.at[pl.ds(tok0, _W)], m_v, sem_m).start()
        pltpu.make_async_copy(m_hbm.at[pl.ds(tok0, _W)], m_v, sem_m).wait()

        def _compact(g, n):
            mvec = m_v[pl.ds(g * _L, _L)]
            msk = mvec != 0
            x = lax.iota(jnp.int32, _L) + (tok0 + g * _L)
            plsc.store_compressed(idx_v.at[pl.ds(n, _L)], x, mask=msk)
            return n + plsc.all_reduce_population_count(msk)[0]

        n = lax.fori_loop(0, _W // _L, _compact, jnp.int32(0))
        idx_v[pl.ds(n, _G)] = jnp.full((_G,), tok0, jnp.int32)

        nb = (n + _G - 1) // _G

        def _start(b, pb, tb, sp, st):
            sl = idx_v.at[pl.ds(b * _G, _G)]
            pltpu.make_async_copy(p_hbm.at[sl], pb, sp).start()
            pltpu.make_async_copy(t_hbm.at[sl], tb, st).start()

        def _compute(b, pb, tb):
            @pl.loop(0, _G)
            def _row(r):
                zero = jnp.zeros((_L,), jnp.float32)

                def _chunk4(c4, carry):
                    a0, a1, a2, a3 = carry
                    base = c4 * (4 * _L)
                    d0 = pb[r, pl.ds(base, _L)] - tb[r, pl.ds(base, _L)]
                    d1 = (pb[r, pl.ds(base + _L, _L)]
                          - tb[r, pl.ds(base + _L, _L)])
                    d2 = (pb[r, pl.ds(base + 2 * _L, _L)]
                          - tb[r, pl.ds(base + 2 * _L, _L)])
                    d3 = (pb[r, pl.ds(base + 3 * _L, _L)]
                          - tb[r, pl.ds(base + 3 * _L, _L)])
                    return (a0 + d0 * d0, a1 + d1 * d1,
                            a2 + d2 * d2, a3 + d3 * d3)

                a0, a1, a2, a3 = lax.fori_loop(
                    0, _CH // (16 * _L), _chunk4, (zero, zero, zero, zero))
                tmp = (a0 + a1) + (a2 + a3)
                w = jnp.where(b * _G + r < n, 1.0, 0.0).astype(jnp.float32)
                acc_ref[...] += tmp * w

        @pl.when(nb > 0)
        def _go():
            _start(0, pb0, tb0, sp0, st0)

            def _pair(i2, carry):
                b = i2 * 2

                @pl.when(b + 1 < nb)
                def _s1():
                    _start(b + 1, pb1, tb1, sp1, st1)

                pltpu.make_async_copy(p_hbm.at[idx_v.at[pl.ds(0, _G)]],
                                      pb0, sp0).wait()
                pltpu.make_async_copy(t_hbm.at[idx_v.at[pl.ds(0, _G)]],
                                      tb0, st0).wait()
                _compute(b, pb0, tb0)

                @pl.when(b + 2 < nb)
                def _s2():
                    _start(b + 2, pb0, tb0, sp0, st0)

                @pl.when(b + 1 < nb)
                def _c1():
                    pltpu.make_async_copy(p_hbm.at[idx_v.at[pl.ds(0, _G)]],
                                          pb1, sp1).wait()
                    pltpu.make_async_copy(t_hbm.at[idx_v.at[pl.ds(0, _G)]],
                                          tb1, st1).wait()
                    _compute(b + 1, pb1, tb1)

                return carry

            lax.fori_loop(0, (nb + 1) // 2, _pair, jnp.int32(0))

        pltpu.sync_copy(acc_ref, o_hbm.at[c, s])

    return sc_kernel(pred, tgt, m_i32)


def kernel(predicted, target, mask):
    tgt_dim = target.shape[-1]
    pred = predicted[..., :tgt_dim].reshape(_TOKENS, _CH)
    tgt = target.reshape(_TOKENS, _CH)
    m_flat = mask.reshape(_TOKENS)
    m_i32 = m_flat.astype(jnp.int32)
    m_full = m_flat.astype(jnp.float32).reshape(_TC_STEPS, 1, _TC_BLK)

    sc_part = _sc_call(pred, tgt, m_i32)
    sq_tc, cnt = _tc_call(pred, tgt, m_full)

    total_sq = sq_tc[0, 0] + jnp.sum(sc_part)
    n = cnt[0, 0] * _CH
    return total_sq / jnp.maximum(n, 1.0)

# --- scband reference (transcript-rebuilt; emitter-appended) ---
"""Pipeline reference for scband-partial-inpainting-loss-46428596470297 (READ-ONLY COPY).

The authoritative reference and input builder live on the scoring server;
editing this copy changes nothing except your own understanding.
"""

import jax, jax.numpy as jnp
import numpy as np


def setup_inputs(seed: int = 0) -> dict:
    key = jax.random.key(seed)
    k1, k2, k3 = jax.random.split(key, 3)
    predicted = jax.random.normal(k1, (4, 8192, 1024), dtype=jnp.float32)
    target = jax.random.normal(k2, (4, 8192, 1024), dtype=jnp.float32)
    mask = jax.random.randint(k3, (4, 8192), 0, 2).astype(jnp.bool_)
    return {"predicted": predicted, "target": target, "mask": mask}


def reference(predicted, target, mask):
    # Faithful to: F.mse_loss(predicted[mask], target[mask])
    # Implemented as a masked mean (identical math) so it is also trace-safe.
    tgt_dim = target.shape[-1]
    pred = predicted[..., :tgt_dim]
    m = mask[..., None].astype(pred.dtype)  # [B, T, 1] broadcast over channels
    diff = pred - target
    sq = diff * diff * m
    n_masked = jnp.sum(mask.astype(jnp.float32)) * tgt_dim
    # if mask.sum() == 0 the torch module returns 0.0; max(denom, 1) reproduces that
    loss = jnp.sum(sq) / jnp.maximum(n_masked, 1.0)
    return loss

if __name__ == "__main__":
    import jax
    _d = setup_inputs()
    print(jax.jit(kernel)(*tuple(_d.values())))

</pallas_src>

<mosaic_0001>
#map = affine_map<(d0, d1) -> (0, 0)>
#map1 = affine_map<(d0, d1) -> (0)>
#map2 = affine_map<(d0, d1) -> (0, 0, 0)>
module attributes {stable_mosaic.version = 14 : i64} {
  func.func @sc_kernel(%arg0: i32, %arg1: i32, %arg2: memref<32768x1024xf32, #tpu.memory_space<hbm>>, %arg3: memref<32768x1024xf32, #tpu.memory_space<hbm>>, %arg4: memref<32768xi32, #tpu.memory_space<hbm>>, %arg5: memref<2x16x16xf32, #tpu.memory_space<hbm>>, %arg6: memref<16xf32, #tpu.memory_space<vmem>>, %arg7: memref<512xi32, #tpu.memory_space<vmem>>, %arg8: memref<528xi32, #tpu.memory_space<vmem>>, %arg9: memref<16x1024xf32, #tpu.memory_space<vmem>>, %arg10: memref<16x1024xf32, #tpu.memory_space<vmem>>, %arg11: memref<16x1024xf32, #tpu.memory_space<vmem>>, %arg12: memref<16x1024xf32, #tpu.memory_space<vmem>>, %arg13: memref<!tpu.dma_semaphore, #tpu.memory_space<semaphore_mem>>, %arg14: memref<!tpu.dma_semaphore, #tpu.memory_space<semaphore_mem>>, %arg15: memref<!tpu.dma_semaphore, #tpu.memory_space<semaphore_mem>>, %arg16: memref<!tpu.dma_semaphore, #tpu.memory_space<semaphore_mem>>, %arg17: memref<!tpu.dma_semaphore, #tpu.memory_space<semaphore_mem>>) attributes {dimension_semantics = [#tpu.dimension_semantics<core_parallel>, #tpu.dimension_semantics<subcore_parallel>], iteration_bounds = array<i64: 2, 16>, scalar_prefetch = 0 : i64, scratch_operands = 12 : i64, tpu.core_type = #tpu.core_type<sc_vector_subcore>, window_params = [{transform_indices = #map}, {transform_indices = #map}, {transform_indices = #map1}, {transform_indices = #map2}]} {
    %mul3A = arith.constant 2 : i32
    %mul3A_0 = arith.muli %arg1, %mul3A : i32
    %add3A = arith.addi %mul3A_0, %arg0 : i32
    %mul3A_1 = arith.constant 512 : i32
    %mul3A_2 = arith.muli %add3A, %mul3A_1 : i32
    %add3A_3 = arith.constant 16384 : i32
    %add3A_4 = arith.addi %add3A_3, %mul3A_2 : i32
    %broadcast_in_dim3A = arith.constant 0.000000e+00 : f32
    %broadcast_in_dim3A_5 = vector.broadcast %broadcast_in_dim3A : f32 to vector<16xf32>
    %swap3A = arith.constant 0 : index
    %swap3A_6 = tpu.vector_load %arg6[%swap3A] {strides = array<i32>} : memref<16xf32, #tpu.memory_space<vmem>>, vector<16xf32>,
    tpu.vector_store %arg6[%swap3A], %broadcast_in_dim3A_5 {strides = array<i32>} : memref<16xf32, #tpu.memory_space<vmem>>, vector<16xf32>,
    %dma_start3A = tpu.memref_slice %arg4[%add3A_4] : memref<32768xi32, #tpu.memory_space<hbm>> -> memref<512xi32, #tpu.memory_space<hbm>>
    %dma_start3A_7 = tpu.memref_slice %arg4[%add3A_4] : memref<32768xi32, #tpu.memory_space<hbm>> -> memref<512xi32, #tpu.memory_space<hbm>>
    tpu.enqueue_dma source(%dma_start3A_7 : memref<512xi32, #tpu.memory_space<hbm>>) target(%arg7 : memref<512xi32, #tpu.memory_space<vmem>>) target_semaphore(%arg13 : memref<!tpu.dma_semaphore, #tpu.memory_space<semaphore_mem>>)
    %dma_wait3A = tpu.memref_slice %arg4[%add3A_4] : memref<32768xi32, #tpu.memory_space<hbm>> -> memref<512xi32, #tpu.memory_space<hbm>>
    %dma_wait3A_8 = tpu.memref_slice %arg4[%add3A_4] : memref<32768xi32, #tpu.memory_space<hbm>> -> memref<512xi32, #tpu.memory_space<hbm>>
    tpu.wait_dma2 semaphore(%arg13 : memref<!tpu.dma_semaphore, #tpu.memory_space<semaphore_mem>>) src(%dma_wait3A_8 : memref<512xi32, #tpu.memory_space<hbm>>) dst(%arg7 : memref<512xi32, #tpu.memory_space<vmem>>)
    %scan3A = arith.constant 0 : i32
    %scan3A_9 = arith.constant 0 : i32
    %scan3A_10 = arith.constant 32 : i32
    %scan3A_11 = arith.addi %scan3A_9, %scan3A_10 : i32
    %scan3A_12 = arith.constant 1 : i32
    %scan3A_13 = scf.for %scan3A_40 = %scan3A_9 to %scan3A_11 step %scan3A_12 iter_args(%scan3A_41 = %scan3A) -> (i32)  : i32 {
      %mul3A_42 = arith.constant 16 : i32
      %mul3A_43 = arith.muli %scan3A_40, %mul3A_42 : i32
      %get3A = arith.index_cast %mul3A_43 : i32 to index
      %get3A_44 = tpu.vector_load %arg7[%get3A] {strides = array<i32>} : memref<512xi32, #tpu.memory_space<vmem>>, vector<16xi32>,
      %ne3A_45 = arith.constant 0 : i32
      %ne3A_46 = vector.broadcast %ne3A_45 : i32 to vector<16xi32>
      %ne3A_47 = arith.cmpi ne, %get3A_44, %ne3A_46 : vector<16xi32>
      %iota3A = tpu.iota {dimensions = array<i32: 0>} : vector<16xi32>
      %mul3A_48 = arith.constant 16 : i32
      %mul3A_49 = arith.muli %scan3A_40, %mul3A_48 : i32
      %add3A_50 = arith.addi %add3A_4, %mul3A_49 : i32
      %add3A_51 = vector.broadcast %add3A_50 : i32 to vector<16xi32>
      %add3A_52 = arith.addi %iota3A, %add3A_51 : vector<16xi32>
      %swap3A_53 = arith.index_cast %scan3A_41 : i32 to index
      %swap3A_54 = tpu.vector_load %arg8[%swap3A_53] masked %ne3A_47 {strides = array<i32>} : memref<528xi32, #tpu.memory_space<vmem>>, vector<16xi32>, vector<16xi1>
      tpu.vector_store %arg8[%swap3A_53], %add3A_52 masked %ne3A_47 {strides = array<i32>} : memref<528xi32, #tpu.memory_space<vmem>>, vector<16xi32>, vector<16xi1>
      %all_reduce_population_count3A = tpu.all_reduce %ne3A_47 {dim = 0 : i64, kind = #tpu.reduction_kind<sum>} : vector<16xi1> -> vector<16xi32>
      %slice3A = vector.extract_strided_slice %all_reduce_population_count3A {offsets = [0], sizes = [1], strides = [1]} : vector<16xi32> to vector<1xi32>
      %squeeze3A = vector.extract %slice3A[0] : i32 from vector<1xi32>
      %add3A_55 = arith.addi %scan3A_41, %squeeze3A : i32
      scf.yield %add3A_55 : i32
    }
    %scan3A_14 = arith.constant 32 : i32
    %broadcast_in_dim3A_15 = vector.broadcast %add3A_4 : i32 to vector<16xi32>
    %swap3A_16 = arith.index_cast %scan3A_13 : i32 to index
    %swap3A_17 = tpu.vector_load %arg8[%swap3A_16] {strides = array<i32>} : memref<528xi32, #tpu.memory_space<vmem>>, vector<16xi32>,
    tpu.vector_store %arg8[%swap3A_16], %broadcast_in_dim3A_15 {strides = array<i32>} : memref<528xi32, #tpu.memory_space<vmem>>, vector<16xi32>,
    %add3A_18 = arith.constant 16 : i32
    %add3A_19 = arith.addi %scan3A_13, %add3A_18 : i32
    %sub3A = arith.constant 1 : i32
    %sub3A_20 = arith.subi %add3A_19, %sub3A : i32
    %jit3A = arith.constant 16 : i32
    %div3A = arith.divsi %sub3A_20, %jit3A : i32
    %sign3A = arith.constant 0 : i32
    %sign3A_21 = arith.cmpi sgt, %sub3A_20, %sign3A : i32
    %sign3A_22 = arith.extui %sign3A_21 : i1 to i32
    %sign3A_23 = arith.constant 0 : i32
    %sign3A_24 = arith.cmpi slt, %sub3A_20, %sign3A_23 : i32
    %sign3A_25 = arith.extui %sign3A_24 : i1 to i32
    %sign3A_26 = arith.subi %sign3A_22, %sign3A_25 : i32
    %sign3A_27 = arith.constant 0 : i32
    %sign3A_28 = arith.cmpi sgt, %jit3A, %sign3A_27 : i32
    %sign3A_29 = arith.extui %sign3A_28 : i1 to i32
    %sign3A_30 = arith.constant 0 : i32
    %sign3A_31 = arith.cmpi slt, %jit3A, %sign3A_30 : i32
    %sign3A_32 = arith.extui %sign3A_31 : i1 to i32
    %sign3A_33 = arith.subi %sign3A_29, %sign3A_32 : i32
    %ne3A = arith.cmpi ne, %sign3A_26, %sign3A_33 : i32
    %rem3A = arith.remsi %sub3A_20, %jit3A : i32
    %ne3A_34 = arith.constant 0 : i32
    %ne3A_35 = arith.cmpi ne, %rem3A, %ne3A_34 : i32
    %and3A = arith.andi %ne3A, %ne3A_35 : i1
    %sub3A_36 = arith.constant 1 : i32
    %sub3A_37 = arith.subi %div3A, %sub3A_36 : i32
    %select_n3A = arith.select %and3A, %sub3A_37, %div3A : i32
    %gt3A = arith.constant 0 : i32
    %gt3A_38 = arith.cmpi sgt, %select_n3A, %gt3A : i32
    %convert_element_type3A = arith.extui %gt3A_38 : i1 to i32
    %cond3A = arith.constant 0 : i32
    %cond3A_39 = arith.cmpi ne, %convert_element_type3A, %cond3A : i32
    scf.if %cond3A_39 {
      %dma_start3A_40 = arith.constant 0 : i32
      %dma_start3A_41 = tpu.memref_slice %arg8[%dma_start3A_40] : memref<528xi32, #tpu.memory_space<vmem>> -> memref<16xi32, #tpu.memory_space<vmem>>
      %dma_start3A_42 = arith.constant 0 : i32
      %dma_start3A_43 = arith.constant 0 : i32
      %dma_start3A_44 = tpu.memref_slice %arg2[%dma_start3A_42, %dma_start3A_43] : memref<32768x1024xf32, #tpu.memory_space<hbm>> -> memref<32768x1024xf32, #tpu.memory_space<hbm>>
      tpu.enqueue_indirect_dma source(%dma_start3A_44 : memref<32768x1024xf32, #tpu.memory_space<hbm>>) target(%arg9 : memref<16x1024xf32, #tpu.memory_space<vmem>>) offsets(%dma_start3A_41 : memref<16xi32, #tpu.memory_space<vmem>>) semaphore(%arg14 : memref<!tpu.dma_semaphore, #tpu.memory_space<semaphore_mem>>)
      %dma_start3A_45 = arith.constant 0 : i32
      %dma_start3A_46 = tpu.memref_slice %arg8[%dma_start3A_45] : memref<528xi32, #tpu.memory_space<vmem>> -> memref<16xi32, #tpu.memory_space<vmem>>
      %dma_start3A_47 = arith.constant 0 : i32
      %dma_start3A_48 = arith.constant 0 : i32
      %dma_start3A_49 = tpu.memref_slice %arg3[%dma_start3A_47, %dma_start3A_48] : memref<32768x1024xf32, #tpu.memory_space<hbm>> -> memref<32768x1024xf32, #tpu.memory_space<hbm>>
      tpu.enqueue_indirect_dma source(%dma_start3A_49 : memref<32768x1024xf32, #tpu.memory_space<hbm>>) target(%arg11 : memref<16x1024xf32, #tpu.memory_space<vmem>>) offsets(%dma_start3A_46 : memref<16xi32, #tpu.memory_space<vmem>>) semaphore(%arg16 : memref<!tpu.dma_semaphore, #tpu.memory_space<semaphore_mem>>)
      %add3A_50 = arith.constant 1 : i32
      %add3A_51 = arith.addi %select_n3A, %add3A_50 : i32
      %jit3A_52 = arith.constant 2 : i32
      %div3A_53 = arith.divsi %add3A_51, %jit3A_52 : i32
      %sign3A_54 = arith.constant 0 : i32
      %sign3A_55 = arith.cmpi sgt, %add3A_51, %sign3A_54 : i32
      %sign3A_56 = arith.extui %sign3A_55 : i1 to i32
      %sign3A_57 = arith.constant 0 : i32
      %sign3A_58 = arith.cmpi slt, %add3A_51, %sign3A_57 : i32
      %sign3A_59 = arith.extui %sign3A_58 : i1 to i32
      %sign3A_60 = arith.subi %sign3A_56, %sign3A_59 : i32
      %sign3A_61 = arith.constant 0 : i32
      %sign3A_62 = arith.cmpi sgt, %jit3A_52, %sign3A_61 : i32
      %sign3A_63 = arith.extui %sign3A_62 : i1 to i32
      %sign3A_64 = arith.constant 0 : i32
      %sign3A_65 = arith.cmpi slt, %jit3A_52, %sign3A_64 : i32
      %sign3A_66 = arith.extui %sign3A_65 : i1 to i32
      %sign3A_67 = arith.subi %sign3A_63, %sign3A_66 : i32
      %ne3A_68 = arith.cmpi ne, %sign3A_60, %sign3A_67 : i32
      %rem3A_69 = arith.remsi %add3A_51, %jit3A_52 : i32
      %ne3A_70 = arith.constant 0 : i32
      %ne3A_71 = arith.cmpi ne, %rem3A_69, %ne3A_70 : i32
      %and3A_72 = arith.andi %ne3A_68, %ne3A_71 : i1
      %sub3A_73 = arith.constant 1 : i32
      %sub3A_74 = arith.subi %div3A_53, %sub3A_73 : i32
      %select_n3A_75 = arith.select %and3A_72, %sub3A_74, %div3A_53 : i32
      %while3A = arith.constant 0 : i32
      %while3A_76 = arith.constant 0 : i32
      %while3A_77 = arith.subi %select_n3A_75, %while3A_76 : i32
      %while3A_78 = arith.addi %while3A_76, %while3A_77 : i32
      %while3A_79 = arith.constant 1 : i32
      %while3A_80 = arith.divsi %while3A_77, %while3A_79 : i32
      %while3A_81 = arith.muli %while3A_80, %while3A_79 : i32
      %while3A_82 = arith.addi %while3A_76, %while3A_81 : i32
      %while3A_83 = arith.constant 1 : i32
      scf.for %while3A_85 = %while3A_76 to %while3A_82 step %while3A_83  : i32 {
        %mul3A_86 = arith.constant 2 : i32
        %mul3A_87 = arith.muli %while3A_85, %mul3A_86 : i32
        %add3A_88 = arith.constant 1 : i32
        %add3A_89 = arith.addi %mul3A_87, %add3A_88 : i32
        %lt3A = arith.cmpi slt, %add3A_89, %select_n3A : i32
        %convert_element_type3A_90 = arith.extui %lt3A : i1 to i32
        %cond3A_91 = arith.constant 0 : i32
        %cond3A_92 = arith.cmpi ne, %convert_element_type3A_90, %cond3A_91 : i32
        scf.if %cond3A_92 {
          %add3A_120 = arith.constant 1 : i32
          %add3A_121 = arith.addi %mul3A_87, %add3A_120 : i32
          %mul3A_122 = arith.constant 16 : i32
          %mul3A_123 = arith.muli %add3A_121, %mul3A_122 : i32
          %dma_start3A_124 = tpu.memref_slice %arg8[%mul3A_123] : memref<528xi32, #tpu.memory_space<vmem>> -> memref<16xi32, #tpu.memory_space<vmem>>
          %dma_start3A_125 = arith.constant 0 : i32
          %dma_start3A_126 = arith.constant 0 : i32
          %dma_start3A_127 = tpu.memref_slice %arg2[%dma_start3A_125, %dma_start3A_126] : memref<32768x1024xf32, #tpu.memory_space<hbm>> -> memref<32768x1024xf32, #tpu.memory_space<hbm>>
          tpu.enqueue_indirect_dma source(%dma_start3A_127 : memref<32768x1024xf32, #tpu.memory_space<hbm>>) target(%arg10 : memref<16x1024xf32, #tpu.memory_space<vmem>>) offsets(%dma_start3A_124 : memref<16xi32, #tpu.memory_space<vmem>>) semaphore(%arg15 : memref<!tpu.dma_semaphore, #tpu.memory_space<semaphore_mem>>)
          %dma_start3A_128 = tpu.memref_slice %arg8[%mul3A_123] : memref<528xi32, #tpu.memory_space<vmem>> -> memref<16xi32, #tpu.memory_space<vmem>>
          %dma_start3A_129 = arith.constant 0 : i32
          %dma_start3A_130 = arith.constant 0 : i32
          %dma_start3A_131 = tpu.memref_slice %arg3[%dma_start3A_129, %dma_start3A_130] : memref<32768x1024xf32, #tpu.memory_space<hbm>> -> memref<32768x1024xf32, #tpu.memory_space<hbm>>
          tpu.enqueue_indirect_dma source(%dma_start3A_131 : memref<32768x1024xf32, #tpu.memory_space<hbm>>) target(%arg12 : memref<16x1024xf32, #tpu.memory_space<vmem>>) offsets(%dma_start3A_128 : memref<16xi32, #tpu.memory_space<vmem>>) semaphore(%arg17 : memref<!tpu.dma_semaphore, #tpu.memory_space<semaphore_mem>>)
        } else {
        }
        %dma_wait3A_93 = arith.constant 0 : i32
        %dma_wait3A_94 = tpu.memref_slice %arg8[%dma_wait3A_93] : memref<528xi32, #tpu.memory_space<vmem>> -> memref<16xi32, #tpu.memory_space<vmem>>
        %dma_wait3A_95 = arith.constant 0 : i32
        %dma_wait3A_96 = arith.constant 0 : i32
        %dma_wait3A_97 = tpu.memref_slice %arg2[%dma_wait3A_95, %dma_wait3A_96] : memref<32768x1024xf32, #tpu.memory_space<hbm>> -> memref<32768x1024xf32, #tpu.memory_space<hbm>>
        tpu.wait_indirect_dma semaphore(%arg14 : memref<!tpu.dma_semaphore, #tpu.memory_space<semaphore_mem>>) src(%dma_wait3A_97 : memref<32768x1024xf32, #tpu.memory_space<hbm>>) dst(%arg9 : memref<16x1024xf32, #tpu.memory_space<vmem>>)
        %dma_wait3A_98 = arith.constant 0 : i32
        %dma_wait3A_99 = tpu.memref_slice %arg8[%dma_wait3A_98] : memref<528xi32, #tpu.memory_space<vmem>> -> memref<16xi32, #tpu.memory_space<vmem>>
        %dma_wait3A_100 = arith.constant 0 : i32
        %dma_wait3A_101 = arith.constant 0 : i32
        %dma_wait3A_102 = tpu.memref_slice %arg3[%dma_wait3A_100, %dma_wait3A_101] : memref<32768x1024xf32, #tpu.memory_space<hbm>> -> memref<32768x1024xf32, #tpu.memory_space<hbm>>
        tpu.wait_indirect_dma semaphore(%arg16 : memref<!tpu.dma_semaphore, #tpu.memory_space<semaphore_mem>>) src(%dma_wait3A_102 : memref<32768x1024xf32, #tpu.memory_space<hbm>>) dst(%arg11 : memref<16x1024xf32, #tpu.memory_space<vmem>>)
        %scan3A_103 = arith.constant 0 : i32
        %scan3A_104 = arith.constant 16 : i32
        %scan3A_105 = arith.addi %scan3A_103, %scan3A_104 : i32
        %scan3A_106 = arith.constant 1 : i32
        scf.for %scan3A_120 = %scan3A_103 to %scan3A_105 step %scan3A_106  : i32 {
          %mul3A_121 = arith.constant 1 : i32
          %mul3A_122 = arith.muli %scan3A_120, %mul3A_121 : i32
          %add3A_123 = arith.constant 0 : i32
          %add3A_124 = arith.addi %add3A_123, %mul3A_122 : i32
          %broadcast_in_dim3A_125 = arith.constant 0.000000e+00 : f32
          %broadcast_in_dim3A_126 = vector.broadcast %broadcast_in_dim3A_125 : f32 to vector<16xf32>
          %scan3A_127 = arith.constant 0 : i32
          %scan3A_128 = arith.constant 4 : i32
          %scan3A_129 = arith.addi %scan3A_127, %scan3A_128 : i32
          %scan3A_130 = arith.constant 1 : i32
          %scan3A_131:4 = scf.for %scan3A_149 = %scan3A_127 to %scan3A_129 step %scan3A_130 iter_args(%scan3A_150 = %broadcast_in_dim3A_126, %scan3A_151 = %broadcast_in_dim3A_126, %scan3A_152 = %broadcast_in_dim3A_126, %scan3A_153 = %broadcast_in_dim3A_126) -> (vector<16xf32>, vector<16xf32>, vector<16xf32>, vector<16xf32>)  : i32 {
            %mul3A_154 = arith.constant 64 : i32
            %mul3A_155 = arith.muli %scan3A_149, %mul3A_154 : i32
            %get3A_156 = arith.index_cast %add3A_124 : i32 to index
            %get3A_157 = arith.index_cast %mul3A_155 : i32 to index
            %get3A_158 = tpu.vector_load %arg9[%get3A_156, %get3A_157] {strides = array<i32>} : memref<16x1024xf32, #tpu.memory_space<vmem>>, vector<16xf32>,
            %get3A_159 = arith.index_cast %add3A_124 : i32 to index
            %get3A_160 = arith.index_cast %mul3A_155 : i32 to index
            %get3A_161 = tpu.vector_load %arg11[%get3A_159, %get3A_160] {strides = array<i32>} : memref<16x1024xf32, #tpu.memory_space<vmem>>, vector<16xf32>,
            %sub3A_162 = arith.subf %get3A_158, %get3A_161 : vector<16xf32>
            %add3A_163 = arith.constant 16 : i32
            %add3A_164 = arith.addi %mul3A_155, %add3A_163 : i32
            %get3A_165 = arith.index_cast %add3A_124 : i32 to index
            %get3A_166 = arith.index_cast %add3A_164 : i32 to index
            %get3A_167 = tpu.vector_load %arg9[%get3A_165, %get3A_166] {strides = array<i32>} : memref<16x1024xf32, #tpu.memory_space<vmem>>, vector<16xf32>,
            %add3A_168 = arith.constant 16 : i32
            %add3A_169 = arith.addi %mul3A_155, %add3A_168 : i32
            %get3A_170 = arith.index_cast %add3A_124 : i32 to index
            %get3A_171 = arith.index_cast %add3A_169 : i32 to index
            %get3A_172 = tpu.vector_load %arg11[%get3A_170, %get3A_171] {strides = array<i32>} : memref<16x1024xf32, #tpu.memory_space<vmem>>, vector<16xf32>,
            %sub3A_173 = arith.subf %get3A_167, %get3A_172 : vector<16xf32>
            %add3A_174 = arith.constant 32 : i32
            %add3A_175 = arith.addi %mul3A_155, %add3A_174 : i32
            %get3A_176 = arith.index_cast %add3A_124 : i32 to index
            %get3A_177 = arith.index_cast %add3A_175 : i32 to index
            %get3A_178 = tpu.vector_load %arg9[%get3A_176, %get3A_177] {strides = array<i32>} : memref<16x1024xf32, #tpu.memory_space<vmem>>, vector<16xf32>,
            %add3A_179 = arith.constant 32 : i32
            %add3A_180 = arith.addi %mul3A_155, %add3A_179 : i32
            %get3A_181 = arith.index_cast %add3A_124 : i32 to index
            %get3A_182 = arith.index_cast %add3A_180 : i32 to index
            %get3A_183 = tpu.vector_load %arg11[%get3A_181, %get3A_182] {strides = array<i32>} : memref<16x1024xf32, #tpu.memory_space<vmem>>, vector<16xf32>,
            %sub3A_184 = arith.subf %get3A_178, %get3A_183 : vector<16xf32>
            %add3A_185 = arith.constant 48 : i32
            %add3A_186 = arith.addi %mul3A_155, %add3A_185 : i32
            %get3A_187 = arith.index_cast %add3A_124 : i32 to index
            %get3A_188 = arith.index_cast %add3A_186 : i32 to index
            %get3A_189 = tpu.vector_load %arg9[%get3A_187, %get3A_188] {strides = array<i32>} : memref<16x1024xf32, #tpu.memory_space<vmem>>, vector<16xf32>,
            %add3A_190 = arith.constant 48 : i32
            %add3A_191 = arith.addi %mul3A_155, %add3A_190 : i32
            %get3A_192 = arith.index_cast %add3A_124 : i32 to index
            %get3A_193 = arith.index_cast %add3A_191 : i32 to index
            %get3A_194 = tpu.vector_load %arg11[%get3A_192, %get3A_193] {strides = array<i32>} : memref<16x1024xf32, #tpu.memory_space<vmem>>, vector<16xf32>,
            %sub3A_195 = arith.subf %get3A_189, %get3A_194 : vector<16xf32>
            %mul3A_196 = arith.mulf %sub3A_162, %sub3A_162 : vector<16xf32>
            %add3A_197 = arith.addf %scan3A_150, %mul3A_196 : vector<16xf32>
            %mul3A_198 = arith.mulf %sub3A_173, %sub3A_173 : vector<16xf32>
            %add3A_199 = arith.addf %scan3A_151, %mul3A_198 : vector<16xf32>
            %mul3A_200 = arith.mulf %sub3A_184, %sub3A_184 : vector<16xf32>
            %add3A_201 = arith.addf %scan3A_152, %mul3A_200 : vector<16xf32>
            %mul3A_202 = arith.mulf %sub3A_195, %sub3A_195 : vector<16xf32>
            %add3A_203 = arith.addf %scan3A_153, %mul3A_202 : vector<16xf32>
            scf.yield %add3A_197, %add3A_199, %add3A_201, %add3A_203 : vector<16xf32>, vector<16xf32>, vector<16xf32>, vector<16xf32>
          }
          %scan3A_132 = arith.constant 4 : i32
          %add3A_133 = arith.addf %scan3A_131#0, %scan3A_131#1 : vector<16xf32>
          %add3A_134 = arith.addf %scan3A_131#2, %scan3A_131#3 : vector<16xf32>
          %add3A_135 = arith.addf %add3A_133, %add3A_134 : vector<16xf32>
          %mul3A_136 = arith.constant 16 : i32
          %mul3A_137 = arith.muli %mul3A_87, %mul3A_136 : i32
          %add3A_138 = arith.addi %mul3A_137, %add3A_124 : i32
          %lt3A_139 = arith.cmpi slt, %add3A_138, %scan3A_13 : i32
          %jit3A_140 = arith.constant 1.000000e+00 : f32
          %jit3A_141 = arith.constant 0.000000e+00 : f32
          %select_n3A_142 = arith.select %lt3A_139, %jit3A_140, %jit3A_141 : f32
          %get3A = arith.constant 0 : index
          %get3A_143 = tpu.vector_load %arg6[%get3A] {strides = array<i32>} : memref<16xf32, #tpu.memory_space<vmem>>, vector<16xf32>,
          %mul3A_144 = vector.broadcast %select_n3A_142 : f32 to vector<16xf32>
          %mul3A_145 = arith.mulf %add3A_135, %mul3A_144 : vector<16xf32>
          %add3A_146 = arith.addf %get3A_143, %mul3A_145 : vector<16xf32>
          %swap3A_147 = arith.constant 0 : index
          %swap3A_148 = tpu.vector_load %arg6[%swap3A_147] {strides = array<i32>} : memref<16xf32, #tpu.memory_space<vmem>>, vector<16xf32>,
          tpu.vector_store %arg6[%swap3A_147], %add3A_146 {strides = array<i32>} : memref<16xf32, #tpu.memory_space<vmem>>, vector<16xf32>,
        }
        %scan3A_107 = arith.constant 16 : i32
        %add3A_108 = arith.constant 2 : i32
        %add3A_109 = arith.addi %mul3A_87, %add3A_108 : i32
        %lt3A_110 = arith.cmpi slt, %add3A_109, %select_n3A : i32
        %convert_element_type3A_111 = arith.extui %lt3A_110 : i1 to i32
        %cond3A_112 = arith.constant 0 : i32
        %cond3A_113 = arith.cmpi ne, %convert_element_type3A_111, %cond3A_112 : i32
        scf.if %cond3A_113 {
          %add3A_120 = arith.constant 2 : i32
          %add3A_121 = arith.addi %mul3A_87, %add3A_120 : i32
          %mul3A_122 = arith.constant 16 : i32
          %mul3A_123 = arith.muli %add3A_121, %mul3A_122 : i32
          %dma_start3A_124 = tpu.memref_slice %arg8[%mul3A_123] : memref<528xi32, #tpu.memory_space<vmem>> -> memref<16xi32, #tpu.memory_space<vmem>>
          %dma_start3A_125 = arith.constant 0 : i32
          %dma_start3A_126 = arith.constant 0 : i32
          %dma_start3A_127 = tpu.memref_slice %arg2[%dma_start3A_125, %dma_start3A_126] : memref<32768x1024xf32, #tpu.memory_space<hbm>> -> memref<32768x1024xf32, #tpu.memory_space<hbm>>
          tpu.enqueue_indirect_dma source(%dma_start3A_127 : memref<32768x1024xf32, #tpu.memory_space<hbm>>) target(%arg9 : memref<16x1024xf32, #tpu.memory_space<vmem>>) offsets(%dma_start3A_124 : memref<16xi32, #tpu.memory_space<vmem>>) semaphore(%arg14 : memref<!tpu.dma_semaphore, #tpu.memory_space<semaphore_mem>>)
          %dma_start3A_128 = tpu.memref_slice %arg8[%mul3A_123] : memref<528xi32, #tpu.memory_space<vmem>> -> memref<16xi32, #tpu.memory_space<vmem>>
          %dma_start3A_129 = arith.constant 0 : i32
          %dma_start3A_130 = arith.constant 0 : i32
          %dma_start3A_131 = tpu.memref_slice %arg3[%dma_start3A_129, %dma_start3A_130] : memref<32768x1024xf32, #tpu.memory_space<hbm>> -> memref<32768x1024xf32, #tpu.memory_space<hbm>>
          tpu.enqueue_indirect_dma source(%dma_start3A_131 : memref<32768x1024xf32, #tpu.memory_space<hbm>>) target(%arg11 : memref<16x1024xf32, #tpu.memory_space<vmem>>) offsets(%dma_start3A_128 : memref<16xi32, #tpu.memory_space<vmem>>) semaphore(%arg16 : memref<!tpu.dma_semaphore, #tpu.memory_space<semaphore_mem>>)
        } else {
        }
        %add3A_114 = arith.constant 1 : i32
        %add3A_115 = arith.addi %mul3A_87, %add3A_114 : i32
        %lt3A_116 = arith.cmpi slt, %add3A_115, %select_n3A : i32
        %convert_element_type3A_117 = arith.extui %lt3A_116 : i1 to i32
        %cond3A_118 = arith.constant 0 : i32
        %cond3A_119 = arith.cmpi ne, %convert_element_type3A_117, %cond3A_118 : i32
        scf.if %cond3A_119 {
          %dma_wait3A_120 = arith.constant 0 : i32
          %dma_wait3A_121 = tpu.memref_slice %arg8[%dma_wait3A_120] : memref<528xi32, #tpu.memory_space<vmem>> -> memref<16xi32, #tpu.memory_space<vmem>>
          %dma_wait3A_122 = arith.constant 0 : i32
          %dma_wait3A_123 = arith.constant 0 : i32
          %dma_wait3A_124 = tpu.memref_slice %arg2[%dma_wait3A_122, %dma_wait3A_123] : memref<32768x1024xf32, #tpu.memory_space<hbm>> -> memref<32768x1024xf32, #tpu.memory_space<hbm>>
          tpu.wait_indirect_dma semaphore(%arg15 : memref<!tpu.dma_semaphore, #tpu.memory_space<semaphore_mem>>) src(%dma_wait3A_124 : memref<32768x1024xf32, #tpu.memory_space<hbm>>) dst(%arg10 : memref<16x1024xf32, #tpu.memory_space<vmem>>)
          %dma_wait3A_125 = arith.constant 0 : i32
          %dma_wait3A_126 = tpu.memref_slice %arg8[%dma_wait3A_125] : memref<528xi32, #tpu.memory_space<vmem>> -> memref<16xi32, #tpu.memory_space<vmem>>
          %dma_wait3A_127 = arith.constant 0 : i32
          %dma_wait3A_128 = arith.constant 0 : i32
          %dma_wait3A_129 = tpu.memref_slice %arg3[%dma_wait3A_127, %dma_wait3A_128] : memref<32768x1024xf32, #tpu.memory_space<hbm>> -> memref<32768x1024xf32, #tpu.memory_space<hbm>>
          tpu.wait_indirect_dma semaphore(%arg17 : memref<!tpu.dma_semaphore, #tpu.memory_space<semaphore_mem>>) src(%dma_wait3A_129 : memref<32768x1024xf32, #tpu.memory_space<hbm>>) dst(%arg12 : memref<16x1024xf32, #tpu.memory_space<vmem>>)
          %add3A_130 = arith.constant 1 : i32
          %add3A_131 = arith.addi %mul3A_87, %add3A_130 : i32
          %scan3A_132 = arith.constant 0 : i32
          %scan3A_133 = arith.constant 16 : i32
          %scan3A_134 = arith.addi %scan3A_132, %scan3A_133 : i32
          %scan3A_135 = arith.constant 1 : i32
          scf.for %scan3A_137 = %scan3A_132 to %scan3A_134 step %scan3A_135  : i32 {
            %mul3A_138 = arith.constant 1 : i32
            %mul3A_139 = arith.muli %scan3A_137, %mul3A_138 : i32
            %add3A_140 = arith.constant 0 : i32
            %add3A_141 = arith.addi %add3A_140, %mul3A_139 : i32
            %broadcast_in_dim3A_142 = arith.constant 0.000000e+00 : f32
            %broadcast_in_dim3A_143 = vector.broadcast %broadcast_in_dim3A_142 : f32 to vector<16xf32>
            %scan3A_144 = arith.constant 0 : i32
            %scan3A_145 = arith.constant 4 : i32
            %scan3A_146 = arith.addi %scan3A_144, %scan3A_145 : i32
            %scan3A_147 = arith.constant 1 : i32
            %scan3A_148:4 = scf.for %scan3A_166 = %scan3A_144 to %scan3A_146 step %scan3A_147 iter_args(%scan3A_167 = %broadcast_in_dim3A_143, %scan3A_168 = %broadcast_in_dim3A_143, %scan3A_169 = %broadcast_in_dim3A_143, %scan3A_170 = %broadcast_in_dim3A_143) -> (vector<16xf32>, vector<16xf32>, vector<16xf32>, vector<16xf32>)  : i32 {
              %mul3A_171 = arith.constant 64 : i32
              %mul3A_172 = arith.muli %scan3A_166, %mul3A_171 : i32
              %get3A_173 = arith.index_cast %add3A_141 : i32 to index
              %get3A_174 = arith.index_cast %mul3A_172 : i32 to index
              %get3A_175 = tpu.vector_load %arg10[%get3A_173, %get3A_174] {strides = array<i32>} : memref<16x1024xf32, #tpu.memory_space<vmem>>, vector<16xf32>,
              %get3A_176 = arith.index_cast %add3A_141 : i32 to index
              %get3A_177 = arith.index_cast %mul3A_172 : i32 to index
              %get3A_178 = tpu.vector_load %arg12[%get3A_176, %get3A_177] {strides = array<i32>} : memref<16x1024xf32, #tpu.memory_space<vmem>>, vector<16xf32>,
              %sub3A_179 = arith.subf %get3A_175, %get3A_178 : vector<16xf32>
              %add3A_180 = arith.constant 16 : i32
              %add3A_181 = arith.addi %mul3A_172, %add3A_180 : i32
              %get3A_182 = arith.index_cast %add3A_141 : i32 to index
              %get3A_183 = arith.index_cast %add3A_181 : i32 to index
              %get3A_184 = tpu.vector_load %arg10[%get3A_182, %get3A_183] {strides = array<i32>} : memref<16x1024xf32, #tpu.memory_space<vmem>>, vector<16xf32>,
              %add3A_185 = arith.constant 16 : i32
              %add3A_186 = arith.addi %mul3A_172, %add3A_185 : i32
              %get3A_187 = arith.index_cast %add3A_141 : i32 to index
              %get3A_188 = arith.index_cast %add3A_186 : i32 to index
              %get3A_189 = tpu.vector_load %arg12[%get3A_187, %get3A_188] {strides = array<i32>} : memref<16x1024xf32, #tpu.memory_space<vmem>>, vector<16xf32>,
              %sub3A_190 = arith.subf %get3A_184, %get3A_189 : vector<16xf32>
              %add3A_191 = arith.constant 32 : i32
              %add3A_192 = arith.addi %mul3A_172, %add3A_191 : i32
              %get3A_193 = arith.index_cast %add3A_141 : i32 to index
              %get3A_194 = arith.index_cast %add3A_192 : i32 to index
              %get3A_195 = tpu.vector_load %arg10[%get3A_193, %get3A_194] {strides = array<i32>} : memref<16x1024xf32, #tpu.memory_space<vmem>>, vector<16xf32>,
              %add3A_196 = arith.constant 32 : i32
              %add3A_197 = arith.addi %mul3A_172, %add3A_196 : i32
              %get3A_198 = arith.index_cast %add3A_141 : i32 to index
              %get3A_199 = arith.index_cast %add3A_197 : i32 to index
              %get3A_200 = tpu.vector_load %arg12[%get3A_198, %get3A_199] {strides = array<i32>} : memref<16x1024xf32, #tpu.memory_space<vmem>>, vector<16xf32>,
              %sub3A_201 = arith.subf %get3A_195, %get3A_200 : vector<16xf32>
              %add3A_202 = arith.constant 48 : i32
              %add3A_203 = arith.addi %mul3A_172, %add3A_202 : i32
              %get3A_204 = arith.index_cast %add3A_141 : i32 to index
              %get3A_205 = arith.index_cast %add3A_203 : i32 to index
              %get3A_206 = tpu.vector_load %arg10[%get3A_204, %get3A_205] {strides = array<i32>} : memref<16x1024xf32, #tpu.memory_space<vmem>>, vector<16xf32>,
              %add3A_207 = arith.constant 48 : i32
              %add3A_208 = arith.addi %mul3A_172, %add3A_207 : i32
              %get3A_209 = arith.index_cast %add3A_141 : i32 to index
              %get3A_210 = arith.index_cast %add3A_208 : i32 to index
              %get3A_211 = tpu.vector_load %arg12[%get3A_209, %get3A_210] {strides = array<i32>} : memref<16x1024xf32, #tpu.memory_space<vmem>>, vector<16xf32>,
              %sub3A_212 = arith.subf %get3A_206, %get3A_211 : vector<16xf32>
              %mul3A_213 = arith.mulf %sub3A_179, %sub3A_179 : vector<16xf32>
              %add3A_214 = arith.addf %scan3A_167, %mul3A_213 : vector<16xf32>
              %mul3A_215 = arith.mulf %sub3A_190, %sub3A_190 : vector<16xf32>
              %add3A_216 = arith.addf %scan3A_168, %mul3A_215 : vector<16xf32>
              %mul3A_217 = arith.mulf %sub3A_201, %sub3A_201 : vector<16xf32>
              %add3A_218 = arith.addf %scan3A_169, %mul3A_217 : vector<16xf32>
              %mul3A_219 = arith.mulf %sub3A_212, %sub3A_212 : vector<16xf32>
              %add3A_220 = arith.addf %scan3A_170, %mul3A_219 : vector<16xf32>
              scf.yield %add3A_214, %add3A_216, %add3A_218, %add3A_220 : vector<16xf32>, vector<16xf32>, vector<16xf32>, vector<16xf32>
            }
            %scan3A_149 = arith.constant 4 : i32
            %add3A_150 = arith.addf %scan3A_148#0, %scan3A_148#1 : vector<16xf32>
            %add3A_151 = arith.addf %scan3A_148#2, %scan3A_148#3 : vector<16xf32>
            %add3A_152 = arith.addf %add3A_150, %add3A_151 : vector<16xf32>
            %mul3A_153 = arith.constant 16 : i32
            %mul3A_154 = arith.muli %add3A_131, %mul3A_153 : i32
            %add3A_155 = arith.addi %mul3A_154, %add3A_141 : i32
            %lt3A_156 = arith.cmpi slt, %add3A_155, %scan3A_13 : i32
            %jit3A_157 = arith.constant 1.000000e+00 : f32
            %jit3A_158 = arith.constant 0.000000e+00 : f32
            %select_n3A_159 = arith.select %lt3A_156, %jit3A_157, %jit3A_158 : f32
            %get3A = arith.constant 0 : index
            %get3A_160 = tpu.vector_load %arg6[%get3A] {strides = array<i32>} : memref<16xf32, #tpu.memory_space<vmem>>, vector<16xf32>,
            %mul3A_161 = vector.broadcast %select_n3A_159 : f32 to vector<16xf32>
            %mul3A_162 = arith.mulf %add3A_152, %mul3A_161 : vector<16xf32>
            %add3A_163 = arith.addf %get3A_160, %mul3A_162 : vector<16xf32>
            %swap3A_164 = arith.constant 0 : index
            %swap3A_165 = tpu.vector_load %arg6[%swap3A_164] {strides = array<i32>} : memref<16xf32, #tpu.memory_space<vmem>>, vector<16xf32>,
            tpu.vector_store %arg6[%swap3A_164], %add3A_163 {strides = array<i32>} : memref<16xf32, #tpu.memory_space<vmem>>, vector<16xf32>,
          }
          %scan3A_136 = arith.constant 16 : i32
        } else {
        }
      }
      %while3A_84 = arith.constant 1 : i32
      scf.for %while3A_85 = %while3A_82 to %while3A_78 step %while3A_84  : i32 {
        %mul3A_86 = arith.constant 2 : i32
        %mul3A_87 = arith.muli %while3A_85, %mul3A_86 : i32
        %add3A_88 = arith.constant 1 : i32
        %add3A_89 = arith.addi %mul3A_87, %add3A_88 : i32
        %lt3A = arith.cmpi slt, %add3A_89, %select_n3A : i32
        %convert_element_type3A_90 = arith.extui %lt3A : i1 to i32
        %cond3A_91 = arith.constant 0 : i32
        %cond3A_92 = arith.cmpi ne, %convert_element_type3A_90, %cond3A_91 : i32
        scf.if %cond3A_92 {
          %add3A_120 = arith.constant 1 : i32
          %add3A_121 = arith.addi %mul3A_87, %add3A_120 : i32
          %mul3A_122 = arith.constant 16 : i32
          %mul3A_123 = arith.muli %add3A_121, %mul3A_122 : i32
          %dma_start3A_124 = tpu.memref_slice %arg8[%mul3A_123] : memref<528xi32, #tpu.memory_space<vmem>> -> memref<16xi32, #tpu.memory_space<vmem>>
          %dma_start3A_125 = arith.constant 0 : i32
          %dma_start3A_126 = arith.constant 0 : i32
          %dma_start3A_127 = tpu.memref_slice %arg2[%dma_start3A_125, %dma_start3A_126] : memref<32768x1024xf32, #tpu.memory_space<hbm>> -> memref<32768x1024xf32, #tpu.memory_space<hbm>>
          tpu.enqueue_indirect_dma source(%dma_start3A_127 : memref<32768x1024xf32, #tpu.memory_space<hbm>>) target(%arg10 : memref<16x1024xf32, #tpu.memory_space<vmem>>) offsets(%dma_start3A_124 : memref<16xi32, #tpu.memory_space<vmem>>) semaphore(%arg15 : memref<!tpu.dma_semaphore, #tpu.memory_space<semaphore_mem>>)
          %dma_start3A_128 = tpu.memref_slice %arg8[%mul3A_123] : memref<528xi32, #tpu.memory_space<vmem>> -> memref<16xi32, #tpu.memory_space<vmem>>
          %dma_start3A_129 = arith.constant 0 : i32
          %dma_start3A_130 = arith.constant 0 : i32
          %dma_start3A_131 = tpu.memref_slice %arg3[%dma_start3A_129, %dma_start3A_130] : memref<32768x1024xf32, #tpu.memory_space<hbm>> -> memref<32768x1024xf32, #tpu.memory_space<hbm>>
          tpu.enqueue_indirect_dma source(%dma_start3A_131 : memref<32768x1024xf32, #tpu.memory_space<hbm>>) target(%arg12 : memref<16x1024xf32, #tpu.memory_space<vmem>>) offsets(%dma_start3A_128 : memref<16xi32, #tpu.memory_space<vmem>>) semaphore(%arg17 : memref<!tpu.dma_semaphore, #tpu.memory_space<semaphore_mem>>)
        } else {
        }
        %dma_wait3A_93 = arith.constant 0 : i32
        %dma_wait3A_94 = tpu.memref_slice %arg8[%dma_wait3A_93] : memref<528xi32, #tpu.memory_space<vmem>> -> memref<16xi32, #tpu.memory_space<vmem>>
        %dma_wait3A_95 = arith.constant 0 : i32
        %dma_wait3A_96 = arith.constant 0 : i32
        %dma_wait3A_97 = tpu.memref_slice %arg2[%dma_wait3A_95, %dma_wait3A_96] : memref<32768x1024xf32, #tpu.memory_space<hbm>> -> memref<32768x1024xf32, #tpu.memory_space<hbm>>
        tpu.wait_indirect_dma semaphore(%arg14 : memref<!tpu.dma_semaphore, #tpu.memory_space<semaphore_mem>>) src(%dma_wait3A_97 : memref<32768x1024xf32, #tpu.memory_space<hbm>>) dst(%arg9 : memref<16x1024xf32, #tpu.memory_space<vmem>>)
        %dma_wait3A_98 = arith.constant 0 : i32
        %dma_wait3A_99 = tpu.memref_slice %arg8[%dma_wait3A_98] : memref<528xi32, #tpu.memory_space<vmem>> -> memref<16xi32, #tpu.memory_space<vmem>>
        %dma_wait3A_100 = arith.constant 0 : i32
        %dma_wait3A_101 = arith.constant 0 : i32
        %dma_wait3A_102 = tpu.memref_slice %arg3[%dma_wait3A_100, %dma_wait3A_101] : memref<32768x1024xf32, #tpu.memory_space<hbm>> -> memref<32768x1024xf32, #tpu.memory_space<hbm>>
        tpu.wait_indirect_dma semaphore(%arg16 : memref<!tpu.dma_semaphore, #tpu.memory_space<semaphore_mem>>) src(%dma_wait3A_102 : memref<32768x1024xf32, #tpu.memory_space<hbm>>) dst(%arg11 : memref<16x1024xf32, #tpu.memory_space<vmem>>)
        %scan3A_103 = arith.constant 0 : i32
        %scan3A_104 = arith.constant 16 : i32
        %scan3A_105 = arith.addi %scan3A_103, %scan3A_104 : i32
        %scan3A_106 = arith.constant 1 : i32
        scf.for %scan3A_120 = %scan3A_103 to %scan3A_105 step %scan3A_106  : i32 {
          %mul3A_121 = arith.constant 1 : i32
          %mul3A_122 = arith.muli %scan3A_120, %mul3A_121 : i32
          %add3A_123 = arith.constant 0 : i32
          %add3A_124 = arith.addi %add3A_123, %mul3A_122 : i32
          %broadcast_in_dim3A_125 = arith.constant 0.000000e+00 : f32
          %broadcast_in_dim3A_126 = vector.broadcast %broadcast_in_dim3A_125 : f32 to vector<16xf32>
          %scan3A_127 = arith.constant 0 : i32
          %scan3A_128 = arith.constant 4 : i32
          %scan3A_129 = arith.addi %scan3A_127, %scan3A_128 : i32
          %scan3A_130 = arith.constant 1 : i32
          %scan3A_131:4 = scf.for %scan3A_149 = %scan3A_127 to %scan3A_129 step %scan3A_130 iter_args(%scan3A_150 = %broadcast_in_dim3A_126, %scan3A_151 = %broadcast_in_dim3A_126, %scan3A_152 = %broadcast_in_dim3A_126, %scan3A_153 = %broadcast_in_dim3A_126) -> (vector<16xf32>, vector<16xf32>, vector<16xf32>, vector<16xf32>)  : i32 {
            %mul3A_154 = arith.constant 64 : i32
            %mul3A_155 = arith.muli %scan3A_149, %mul3A_154 : i32
            %get3A_156 = arith.index_cast %add3A_124 : i32 to index
            %get3A_157 = arith.index_cast %mul3A_155 : i32 to index
            %get3A_158 = tpu.vector_load %arg9[%get3A_156, %get3A_157] {strides = array<i32>} : memref<16x1024xf32, #tpu.memory_space<vmem>>, vector<16xf32>,
            %get3A_159 = arith.index_cast %add3A_124 : i32 to index
            %get3A_160 = arith.index_cast %mul3A_155 : i32 to index
            %get3A_161 = tpu.vector_load %arg11[%get3A_159, %get3A_160] {strides = array<i32>} : memref<16x1024xf32, #tpu.memory_space<vmem>>, vector<16xf32>,
            %sub3A_162 = arith.subf %get3A_158, %get3A_161 : vector<16xf32>
            %add3A_163 = arith.constant 16 : i32
            %add3A_164 = arith.addi %mul3A_155, %add3A_163 : i32
            %get3A_165 = arith.index_cast %add3A_124 : i32 to index
            %get3A_166 = arith.index_cast %add3A_164 : i32 to index
            %get3A_167 = tpu.vector_load %arg9[%get3A_165, %get3A_166] {strides = array<i32>} : memref<16x1024xf32, #tpu.memory_space<vmem>>, vector<16xf32>,
            %add3A_168 = arith.constant 16 : i32
            %add3A_169 = arith.addi %mul3A_155, %add3A_168 : i32
            %get3A_170 = arith.index_cast %add3A_124 : i32 to index
            %get3A_171 = arith.index_cast %add3A_169 : i32 to index
            %get3A_172 = tpu.vector_load %arg11[%get3A_170, %get3A_171] {strides = array<i32>} : memref<16x1024xf32, #tpu.memory_space<vmem>>, vector<16xf32>,
            %sub3A_173 = arith.subf %get3A_167, %get3A_172 : vector<16xf32>
            %add3A_174 = arith.constant 32 : i32
            %add3A_175 = arith.addi %mul3A_155, %add3A_174 : i32
            %get3A_176 = arith.index_cast %add3A_124 : i32 to index
            %get3A_177 = arith.index_cast %add3A_175 : i32 to index
            %get3A_178 = tpu.vector_load %arg9[%get3A_176, %get3A_177] {strides = array<i32>} : memref<16x1024xf32, #tpu.memory_space<vmem>>, vector<16xf32>,
            %add3A_179 = arith.constant 32 : i32
            %add3A_180 = arith.addi %mul3A_155, %add3A_179 : i32
            %get3A_181 = arith.index_cast %add3A_124 : i32 to index
            %get3A_182 = arith.index_cast %add3A_180 : i32 to index
            %get3A_183 = tpu.vector_load %arg11[%get3A_181, %get3A_182] {strides = array<i32>} : memref<16x1024xf32, #tpu.memory_space<vmem>>, vector<16xf32>,
            %sub3A_184 = arith.subf %get3A_178, %get3A_183 : vector<16xf32>
            %add3A_185 = arith.constant 48 : i32
            %add3A_186 = arith.addi %mul3A_155, %add3A_185 : i32
            %get3A_187 = arith.index_cast %add3A_124 : i32 to index
            %get3A_188 = arith.index_cast %add3A_186 : i32 to index
            %get3A_189 = tpu.vector_load %arg9[%get3A_187, %get3A_188] {strides = array<i32>} : memref<16x1024xf32, #tpu.memory_space<vmem>>, vector<16xf32>,
            %add3A_190 = arith.constant 48 : i32
            %add3A_191 = arith.addi %mul3A_155, %add3A_190 : i32
            %get3A_192 = arith.index_cast %add3A_124 : i32 to index
            %get3A_193 = arith.index_cast %add3A_191 : i32 to index
            %get3A_194 = tpu.vector_load %arg11[%get3A_192, %get3A_193] {strides = array<i32>} : memref<16x1024xf32, #tpu.memory_space<vmem>>, vector<16xf32>,
            %sub3A_195 = arith.subf %get3A_189, %get3A_194 : vector<16xf32>
            %mul3A_196 = arith.mulf %sub3A_162, %sub3A_162 : vector<16xf32>
            %add3A_197 = arith.addf %scan3A_150, %mul3A_196 : vector<16xf32>
            %mul3A_198 = arith.mulf %sub3A_173, %sub3A_173 : vector<16xf32>
            %add3A_199 = arith.addf %scan3A_151, %mul3A_198 : vector<16xf32>
            %mul3A_200 = arith.mulf %sub3A_184, %sub3A_184 : vector<16xf32>
            %add3A_201 = arith.addf %scan3A_152, %mul3A_200 : vector<16xf32>
            %mul3A_202 = arith.mulf %sub3A_195, %sub3A_195 : vector<16xf32>
            %add3A_203 = arith.addf %scan3A_153, %mul3A_202 : vector<16xf32>
            scf.yield %add3A_197, %add3A_199, %add3A_201, %add3A_203 : vector<16xf32>, vector<16xf32>, vector<16xf32>, vector<16xf32>
          }
          %scan3A_132 = arith.constant 4 : i32
          %add3A_133 = arith.addf %scan3A_131#0, %scan3A_131#1 : vector<16xf32>
          %add3A_134 = arith.addf %scan3A_131#2, %scan3A_131#3 : vector<16xf32>
          %add3A_135 = arith.addf %add3A_133, %add3A_134 : vector<16xf32>
          %mul3A_136 = arith.constant 16 : i32
          %mul3A_137 = arith.muli %mul3A_87, %mul3A_136 : i32
          %add3A_138 = arith.addi %mul3A_137, %add3A_124 : i32
          %lt3A_139 = arith.cmpi slt, %add3A_138, %scan3A_13 : i32
          %jit3A_140 = arith.constant 1.000000e+00 : f32
          %jit3A_141 = arith.constant 0.000000e+00 : f32
          %select_n3A_142 = arith.select %lt3A_139, %jit3A_140, %jit3A_141 : f32
          %get3A = arith.constant 0 : index
          %get3A_143 = tpu.vector_load %arg6[%get3A] {strides = array<i32>} : memref<16xf32, #tpu.memory_space<vmem>>, vector<16xf32>,
          %mul3A_144 = vector.broadcast %select_n3A_142 : f32 to vector<16xf32>
          %mul3A_145 = arith.mulf %add3A_135, %mul3A_144 : vector<16xf32>
          %add3A_146 = arith.addf %get3A_143, %mul3A_145 : vector<16xf32>
          %swap3A_147 = arith.constant 0 : index
          %swap3A_148 = tpu.vector_load %arg6[%swap3A_147] {strides = array<i32>} : memref<16xf32, #tpu.memory_space<vmem>>, vector<16xf32>,
          tpu.vector_store %arg6[%swap3A_147], %add3A_146 {strides = array<i32>} : memref<16xf32, #tpu.memory_space<vmem>>, vector<16xf32>,
        }
        %scan3A_107 = arith.constant 16 : i32
        %add3A_108 = arith.constant 2 : i32
        %add3A_109 = arith.addi %mul3A_87, %add3A_108 : i32
        %lt3A_110 = arith.cmpi slt, %add3A_109, %select_n3A : i32
        %convert_element_type3A_111 = arith.extui %lt3A_110 : i1 to i32
        %cond3A_112 = arith.constant 0 : i32
        %cond3A_113 = arith.cmpi ne, %convert_element_type3A_111, %cond3A_112 : i32
        scf.if %cond3A_113 {
          %add3A_120 = arith.constant 2 : i32
          %add3A_121 = arith.addi %mul3A_87, %add3A_120 : i32
          %mul3A_122 = arith.constant 16 : i32
          %mul3A_123 = arith.muli %add3A_121, %mul3A_122 : i32
          %dma_start3A_124 = tpu.memref_slice %arg8[%mul3A_123] : memref<528xi32, #tpu.memory_space<vmem>> -> memref<16xi32, #tpu.memory_space<vmem>>
          %dma_start3A_125 = arith.constant 0 : i32
          %dma_start3A_126 = arith.constant 0 : i32
          %dma_start3A_127 = tpu.memref_slice %arg2[%dma_start3A_125, %dma_start3A_126] : memref<32768x1024xf32, #tpu.memory_space<hbm>> -> memref<32768x1024xf32, #tpu.memory_space<hbm>>
          tpu.enqueue_indirect_dma source(%dma_start3A_127 : memref<32768x1024xf32, #tpu.memory_space<hbm>>) target(%arg9 : memref<16x1024xf32, #tpu.memory_space<vmem>>) offsets(%dma_start3A_124 : memref<16xi32, #tpu.memory_space<vmem>>) semaphore(%arg14 : memref<!tpu.dma_semaphore, #tpu.memory_space<semaphore_mem>>)
          %dma_start3A_128 = tpu.memref_slice %arg8[%mul3A_123] : memref<528xi32, #tpu.memory_space<vmem>> -> memref<16xi32, #tpu.memory_space<vmem>>
          %dma_start3A_129 = arith.constant 0 : i32
          %dma_start3A_130 = arith.constant 0 : i32
          %dma_start3A_131 = tpu.memref_slice %arg3[%dma_start3A_129, %dma_start3A_130] : memref<32768x1024xf32, #tpu.memory_space<hbm>> -> memref<32768x1024xf32, #tpu.memory_space<hbm>>
          tpu.enqueue_indirect_dma source(%dma_start3A_131 : memref<32768x1024xf32, #tpu.memory_space<hbm>>) target(%arg11 : memref<16x1024xf32, #tpu.memory_space<vmem>>) offsets(%dma_start3A_128 : memref<16xi32, #tpu.memory_space<vmem>>) semaphore(%arg16 : memref<!tpu.dma_semaphore, #tpu.memory_space<semaphore_mem>>)
        } else {
        }
        %add3A_114 = arith.constant 1 : i32
        %add3A_115 = arith.addi %mul3A_87, %add3A_114 : i32
        %lt3A_116 = arith.cmpi slt, %add3A_115, %select_n3A : i32
        %convert_element_type3A_117 = arith.extui %lt3A_116 : i1 to i32
        %cond3A_118 = arith.constant 0 : i32
        %cond3A_119 = arith.cmpi ne, %convert_element_type3A_117, %cond3A_118 : i32
        scf.if %cond3A_119 {
          %dma_wait3A_120 = arith.constant 0 : i32
          %dma_wait3A_121 = tpu.memref_slice %arg8[%dma_wait3A_120] : memref<528xi32, #tpu.memory_space<vmem>> -> memref<16xi32, #tpu.memory_space<vmem>>
          %dma_wait3A_122 = arith.constant 0 : i32
          %dma_wait3A_123 = arith.constant 0 : i32
          %dma_wait3A_124 = tpu.memref_slice %arg2[%dma_wait3A_122, %dma_wait3A_123] : memref<32768x1024xf32, #tpu.memory_space<hbm>> -> memref<32768x1024xf32, #tpu.memory_space<hbm>>
          tpu.wait_indirect_dma semaphore(%arg15 : memref<!tpu.dma_semaphore, #tpu.memory_space<semaphore_mem>>) src(%dma_wait3A_124 : memref<32768x1024xf32, #tpu.memory_space<hbm>>) dst(%arg10 : memref<16x1024xf32, #tpu.memory_space<vmem>>)
          %dma_wait3A_125 = arith.constant 0 : i32
          %dma_wait3A_126 = tpu.memref_slice %arg8[%dma_wait3A_125] : memref<528xi32, #tpu.memory_space<vmem>> -> memref<16xi32, #tpu.memory_space<vmem>>
          %dma_wait3A_127 = arith.constant 0 : i32
          %dma_wait3A_128 = arith.constant 0 : i32
          %dma_wait3A_129 = tpu.memref_slice %arg3[%dma_wait3A_127, %dma_wait3A_128] : memref<32768x1024xf32, #tpu.memory_space<hbm>> -> memref<32768x1024xf32, #tpu.memory_space<hbm>>
          tpu.wait_indirect_dma semaphore(%arg17 : memref<!tpu.dma_semaphore, #tpu.memory_space<semaphore_mem>>) src(%dma_wait3A_129 : memref<32768x1024xf32, #tpu.memory_space<hbm>>) dst(%arg12 : memref<16x1024xf32, #tpu.memory_space<vmem>>)
          %add3A_130 = arith.constant 1 : i32
          %add3A_131 = arith.addi %mul3A_87, %add3A_130 : i32
          %scan3A_132 = arith.constant 0 : i32
          %scan3A_133 = arith.constant 16 : i32
          %scan3A_134 = arith.addi %scan3A_132, %scan3A_133 : i32
          %scan3A_135 = arith.constant 1 : i32
          scf.for %scan3A_137 = %scan3A_132 to %scan3A_134 step %scan3A_135  : i32 {
            %mul3A_138 = arith.constant 1 : i32
            %mul3A_139 = arith.muli %scan3A_137, %mul3A_138 : i32
            %add3A_140 = arith.constant 0 : i32
            %add3A_141 = arith.addi %add3A_140, %mul3A_139 : i32
            %broadcast_in_dim3A_142 = arith.constant 0.000000e+00 : f32
            %broadcast_in_dim3A_143 = vector.broadcast %broadcast_in_dim3A_142 : f32 to vector<16xf32>
            %scan3A_144 = arith.constant 0 : i32
            %scan3A_145 = arith.constant 4 : i32
            %scan3A_146 = arith.addi %scan3A_144, %scan3A_145 : i32
            %scan3A_147 = arith.constant 1 : i32
            %scan3A_148:4 = scf.for %scan3A_166 = %scan3A_144 to %scan3A_146 step %scan3A_147 iter_args(%scan3A_167 = %broadcast_in_dim3A_143, %scan3A_168 = %broadcast_in_dim3A_143, %scan3A_169 = %broadcast_in_dim3A_143, %scan3A_170 = %broadcast_in_dim3A_143) -> (vector<16xf32>, vector<16xf32>, vector<16xf32>, vector<16xf32>)  : i32 {
              %mul3A_171 = arith.constant 64 : i32
              %mul3A_172 = arith.muli %scan3A_166, %mul3A_171 : i32
              %get3A_173 = arith.index_cast %add3A_141 : i32 to index
              %get3A_174 = arith.index_cast %mul3A_172 : i32 to index
              %get3A_175 = tpu.vector_load %arg10[%get3A_173, %get3A_174] {strides = array<i32>} : memref<16x1024xf32, #tpu.memory_space<vmem>>, vector<16xf32>,
              %get3A_176 = arith.index_cast %add3A_141 : i32 to index
              %get3A_177 = arith.index_cast %mul3A_172 : i32 to index
              %get3A_178 = tpu.vector_load %arg12[%get3A_176, %get3A_177] {strides = array<i32>} : memref<16x1024xf32, #tpu.memory_space<vmem>>, vector<16xf32>,
              %sub3A_179 = arith.subf %get3A_175, %get3A_178 : vector<16xf32>
              %add3A_180 = arith.constant 16 : i32
              %add3A_181 = arith.addi %mul3A_172, %add3A_180 : i32
              %get3A_182 = arith.index_cast %add3A_141 : i32 to index
              %get3A_183 = arith.index_cast %add3A_181 : i32 to index
              %get3A_184 = tpu.vector_load %arg10[%get3A_182, %get3A_183] {strides = array<i32>} : memref<16x1024xf32, #tpu.memory_space<vmem>>, vector<16xf32>,
              %add3A_185 = arith.constant 16 : i32
              %add3A_186 = arith.addi %mul3A_172, %add3A_185 : i32
              %get3A_187 = arith.index_cast %add3A_141 : i32 to index
              %get3A_188 = arith.index_cast %add3A_186 : i32 to index
              %get3A_189 = tpu.vector_load %arg12[%get3A_187, %get3A_188] {strides = array<i32>} : memref<16x1024xf32, #tpu.memory_space<vmem>>, vector<16xf32>,
              %sub3A_190 = arith.subf %get3A_184, %get3A_189 : vector<16xf32>
              %add3A_191 = arith.constant 32 : i32
              %add3A_192 = arith.addi %mul3A_172, %add3A_191 : i32
              %get3A_193 = arith.index_cast %add3A_141 : i32 to index
              %get3A_194 = arith.index_cast %add3A_192 : i32 to index
              %get3A_195 = tpu.vector_load %arg10[%get3A_193, %get3A_194] {strides = array<i32>} : memref<16x1024xf32, #tpu.memory_space<vmem>>, vector<16xf32>,
              %add3A_196 = arith.constant 32 : i32
              %add3A_197 = arith.addi %mul3A_172, %add3A_196 : i32
              %get3A_198 = arith.index_cast %add3A_141 : i32 to index
              %get3A_199 = arith.index_cast %add3A_197 : i32 to index
              %get3A_200 = tpu.vector_load %arg12[%get3A_198, %get3A_199] {strides = array<i32>} : memref<16x1024xf32, #tpu.memory_space<vmem>>, vector<16xf32>,
              %sub3A_201 = arith.subf %get3A_195, %get3A_200 : vector<16xf32>
              %add3A_202 = arith.constant 48 : i32
              %add3A_203 = arith.addi %mul3A_172, %add3A_202 : i32
              %get3A_204 = arith.index_cast %add3A_141 : i32 to index
              %get3A_205 = arith.index_cast %add3A_203 : i32 to index
              %get3A_206 = tpu.vector_load %arg10[%get3A_204, %get3A_205] {strides = array<i32>} : memref<16x1024xf32, #tpu.memory_space<vmem>>, vector<16xf32>,
              %add3A_207 = arith.constant 48 : i32
              %add3A_208 = arith.addi %mul3A_172, %add3A_207 : i32
              %get3A_209 = arith.index_cast %add3A_141 : i32 to index
              %get3A_210 = arith.index_cast %add3A_208 : i32 to index
              %get3A_211 = tpu.vector_load %arg12[%get3A_209, %get3A_210] {strides = array<i32>} : memref<16x1024xf32, #tpu.memory_space<vmem>>, vector<16xf32>,
              %sub3A_212 = arith.subf %get3A_206, %get3A_211 : vector<16xf32>
              %mul3A_213 = arith.mulf %sub3A_179, %sub3A_179 : vector<16xf32>
              %add3A_214 = arith.addf %scan3A_167, %mul3A_213 : vector<16xf32>
              %mul3A_215 = arith.mulf %sub3A_190, %sub3A_190 : vector<16xf32>
              %add3A_216 = arith.addf %scan3A_168, %mul3A_215 : vector<16xf32>
              %mul3A_217 = arith.mulf %sub3A_201, %sub3A_201 : vector<16xf32>
              %add3A_218 = arith.addf %scan3A_169, %mul3A_217 : vector<16xf32>
              %mul3A_219 = arith.mulf %sub3A_212, %sub3A_212 : vector<16xf32>
              %add3A_220 = arith.addf %scan3A_170, %mul3A_219 : vector<16xf32>
              scf.yield %add3A_214, %add3A_216, %add3A_218, %add3A_220 : vector<16xf32>, vector<16xf32>, vector<16xf32>, vector<16xf32>
            }
            %scan3A_149 = arith.constant 4 : i32
            %add3A_150 = arith.addf %scan3A_148#0, %scan3A_148#1 : vector<16xf32>
            %add3A_151 = arith.addf %scan3A_148#2, %scan3A_148#3 : vector<16xf32>
            %add3A_152 = arith.addf %add3A_150, %add3A_151 : vector<16xf32>
            %mul3A_153 = arith.constant 16 : i32
            %mul3A_154 = arith.muli %add3A_131, %mul3A_153 : i32
            %add3A_155 = arith.addi %mul3A_154, %add3A_141 : i32
            %lt3A_156 = arith.cmpi slt, %add3A_155, %scan3A_13 : i32
            %jit3A_157 = arith.constant 1.000000e+00 : f32
            %jit3A_158 = arith.constant 0.000000e+00 : f32
            %select_n3A_159 = arith.select %lt3A_156, %jit3A_157, %jit3A_158 : f32
            %get3A = arith.constant 0 : index
            %get3A_160 = tpu.vector_load %arg6[%get3A] {strides = array<i32>} : memref<16xf32, #tpu.memory_space<vmem>>, vector<16xf32>,
            %mul3A_161 = vector.broadcast %select_n3A_159 : f32 to vector<16xf32>
            %mul3A_162 = arith.mulf %add3A_152, %mul3A_161 : vector<16xf32>
            %add3A_163 = arith.addf %get3A_160, %mul3A_162 : vector<16xf32>
            %swap3A_164 = arith.constant 0 : index
            %swap3A_165 = tpu.vector_load %arg6[%swap3A_164] {strides = array<i32>} : memref<16xf32, #tpu.memory_space<vmem>>, vector<16xf32>,
            tpu.vector_store %arg6[%swap3A_164], %add3A_163 {strides = array<i32>} : memref<16xf32, #tpu.memory_space<vmem>>, vector<16xf32>,
          }
          %scan3A_136 = arith.constant 16 : i32
        } else {
        }
      }
    } else {
    }
    "tpu.region"() ({
      %run_scoped3A = tpu.sem_alloc : memref<!tpu.dma_semaphore, #tpu.memory_space<semaphore_mem>>
      %dma_start3A_40 = arith.constant 0 : i32
      %dma_start3A_41 = tpu.memref_slice %arg5[%arg0, %arg1, %dma_start3A_40] : memref<2x16x16xf32, #tpu.memory_space<hbm>> -> memref<1x1x16xf32, #tpu.memory_space<hbm>>
      %dma_start3A_42 = tpu.memref_squeeze %dma_start3A_41 : memref<1x1x16xf32, #tpu.memory_space<hbm>> -> memref<16xf32, #tpu.memory_space<hbm>>
      %dma_start3A_43 = arith.constant 0 : i32
      %dma_start3A_44 = tpu.memref_slice %arg5[%arg0, %arg1, %dma_start3A_43] : memref<2x16x16xf32, #tpu.memory_space<hbm>> -> memref<1x1x16xf32, #tpu.memory_space<hbm>>
      %dma_start3A_45 = tpu.memref_squeeze %dma_start3A_44 : memref<1x1x16xf32, #tpu.memory_space<hbm>> -> memref<16xf32, #tpu.memory_space<hbm>>
      tpu.enqueue_dma source(%arg6 : memref<16xf32, #tpu.memory_space<vmem>>) target(%dma_start3A_45 : memref<16xf32, #tpu.memory_space<hbm>>) target_semaphore(%run_scoped3A : memref<!tpu.dma_semaphore, #tpu.memory_space<semaphore_mem>>)
      %dma_wait3A_46 = arith.constant 0 : i32
      %dma_wait3A_47 = tpu.memref_slice %arg5[%arg0, %arg1, %dma_wait3A_46] : memref<2x16x16xf32, #tpu.memory_space<hbm>> -> memref<1x1x16xf32, #tpu.memory_space<hbm>>
      %dma_wait3A_48 = tpu.memref_squeeze %dma_wait3A_47 : memref<1x1x16xf32, #tpu.memory_space<hbm>> -> memref<16xf32, #tpu.memory_space<hbm>>
      %dma_wait3A_49 = arith.constant 0 : i32
      %dma_wait3A_50 = tpu.memref_slice %arg5[%arg0, %arg1, %dma_wait3A_49] : memref<2x16x16xf32, #tpu.memory_space<hbm>> -> memref<1x1x16xf32, #tpu.memory_space<hbm>>
      %dma_wait3A_51 = tpu.memref_squeeze %dma_wait3A_50 : memref<1x1x16xf32, #tpu.memory_space<hbm>> -> memref<16xf32, #tpu.memory_space<hbm>>
      tpu.wait_dma2 semaphore(%run_scoped3A : memref<!tpu.dma_semaphore, #tpu.memory_space<semaphore_mem>>) src(%arg6 : memref<16xf32, #tpu.memory_space<vmem>>) dst(%dma_wait3A_51 : memref<16xf32, #tpu.memory_space<hbm>>)
      tpu.yield
    }) : () -> ()
    return
  }
}

module attributes {stable_mosaic.version = 14 : i64} {
  func.func @_tc_kernel(%arg0: i32, %arg1: memref<1024x1024xf32, #tpu.memory_space<vmem>>, %arg2: memref<1024x1024xf32, #tpu.memory_space<vmem>>, %arg3: memref<1x1x1024xf32, #tpu.memory_space<vmem>>, %arg4: memref<1x1xf32, #tpu.memory_space<smem>>, %arg5: memref<1x1xf32, #tpu.memory_space<smem>>) attributes {dimension_semantics = [#tpu.dimension_semantics<arbitrary>], iteration_bounds = array<i64: 32>, scalar_prefetch = 0 : i64, scratch_operands = 0 : i64, tpu.core_type = #tpu.core_type<tc>, window_params = [{transform_indices = @transform_0, window_bounds = array<i64: 1024, 1024>}, {transform_indices = @transform_1, window_bounds = array<i64: 1024, 1024>}, {transform_indices = @transform_2, window_bounds = array<i64: 1, 1, 1024>}, {transform_indices = @transform_3, window_bounds = array<i64: 1, 1>}, {transform_indices = @transform_4, window_bounds = array<i64: 1, 1>}]} {
    %eq3A = arith.constant 0 : i32
    %eq3A_0 = arith.cmpi eq, %arg0, %eq3A : i32
    %convert_element_type3A = arith.extui %eq3A_0 : i1 to i32
    %cond3A = arith.constant 0 : i32
    %cond3A_1 = arith.cmpi ne, %convert_element_type3A, %cond3A : i32
    scf.if %cond3A_1 {
      %swap3A_19 = arith.constant 0.000000e+00 : f32
      %swap3A_20 = arith.constant 0 : index
      %swap3A_21 = arith.constant 0 : index
      %swap3A_22 = memref.load %arg4[%swap3A_20, %swap3A_21] : memref<1x1xf32, #tpu.memory_space<smem>>
      memref.store %swap3A_19, %arg4[%swap3A_20, %swap3A_21] : memref<1x1xf32, #tpu.memory_space<smem>>
      %swap3A_23 = arith.constant 0.000000e+00 : f32
      %swap3A_24 = arith.constant 0 : index
      %swap3A_25 = arith.constant 0 : index
      %swap3A_26 = memref.load %arg5[%swap3A_24, %swap3A_25] : memref<1x1xf32, #tpu.memory_space<smem>>
      memref.store %swap3A_23, %arg5[%swap3A_24, %swap3A_25] : memref<1x1xf32, #tpu.memory_space<smem>>
    } else {
    }
    %get3A = arith.constant 0 : index
    %get3A_2 = arith.constant 0 : index
    %get3A_3 = arith.constant 0 : index
    %get3A_4 = vector.load %arg3[%get3A, %get3A_2, %get3A_3] : memref<1x1x1024xf32, #tpu.memory_space<vmem>>, vector<1x1x1024xf32>
    %get3A_5 = vector.shape_cast %get3A_4 : vector<1x1x1024xf32> to vector<1024xf32>
    %get3A_6 = arith.constant 0 : index
    %get3A_7 = arith.constant 0 : index
    %get3A_8 = memref.load %arg5[%get3A_6, %get3A_7] : memref<1x1xf32, #tpu.memory_space<smem>>
    %reduce_sum3A = vector.shape_cast %get3A_5 : vector<1024xf32> to vector<1x1024xf32>
    %reduce_sum3A_9 = arith.constant dense<0.000000e+00> : vector<1xf32>
    %reduce_sum3A_10 = vector.multi_reduction <add>, %reduce_sum3A, %reduce_sum3A_9 [1] : vector<1x1024xf32> to vector<1xf32>
    %reduce_sum3A_11 = vector.shape_cast %reduce_sum3A_10 : vector<1xf32> to vector<1x1xf32>
    %reduce_sum3A_12 = vector.extract %reduce_sum3A_11[0, 0] : f32 from vector<1x1xf32>
    %add3A = arith.addf %get3A_8, %reduce_sum3A_12 : f32
    %swap3A = arith.constant 0 : index
    %swap3A_13 = arith.constant 0 : index
    %swap3A_14 = memref.load %arg5[%swap3A, %swap3A_13] : memref<1x1xf32, #tpu.memory_space<smem>>
    memref.store %add3A, %arg5[%swap3A, %swap3A_13] : memref<1x1xf32, #tpu.memory_space<smem>>
    %lt3A = arith.constant 16 : i32
    %lt3A_15 = arith.cmpi slt, %arg0, %lt3A : i32
    %convert_element_type3A_16 = arith.extui %lt3A_15 : i1 to i32
    %cond3A_17 = arith.constant 0 : i32
    %cond3A_18 = arith.cmpi ne, %convert_element_type3A_16, %cond3A_17 : i32
    scf.if %cond3A_18 {
      %get3A_19 = arith.constant 0 : index
      %get3A_20 = arith.constant 0 : index
      %get3A_21 = vector.load %arg1[%get3A_19, %get3A_20] : memref<1024x1024xf32, #tpu.memory_space<vmem>>, vector<1024x1024xf32>
      %get3A_22 = arith.constant 0 : index
      %get3A_23 = arith.constant 0 : index
      %get3A_24 = vector.load %arg2[%get3A_22, %get3A_23] : memref<1024x1024xf32, #tpu.memory_space<vmem>>, vector<1024x1024xf32>
      %sub3A = arith.subf %get3A_21, %get3A_24 : vector<1024x1024xf32>
      %mul3A = arith.mulf %sub3A, %sub3A : vector<1024x1024xf32>
      %reduce_sum3A_25 = arith.constant dense<0.000000e+00> : vector<1024xf32>
      %reduce_sum3A_26 = vector.multi_reduction <add>, %mul3A, %reduce_sum3A_25 [1] : vector<1024x1024xf32> to vector<1024xf32>
      %get3A_27 = arith.constant 0 : index
      %get3A_28 = arith.constant 0 : index
      %get3A_29 = memref.load %arg4[%get3A_27, %get3A_28] : memref<1x1xf32, #tpu.memory_space<smem>>
      %mul3A_30 = arith.mulf %reduce_sum3A_26, %get3A_5 : vector<1024xf32>
      %reduce_sum3A_31 = vector.shape_cast %mul3A_30 : vector<1024xf32> to vector<1x1024xf32>
      %reduce_sum3A_32 = arith.constant dense<0.000000e+00> : vector<1xf32>
      %reduce_sum3A_33 = vector.multi_reduction <add>, %reduce_sum3A_31, %reduce_sum3A_32 [1] : vector<1x1024xf32> to vector<1xf32>
      %reduce_sum3A_34 = vector.shape_cast %reduce_sum3A_33 : vector<1xf32> to vector<1x1xf32>
      %reduce_sum3A_35 = vector.extract %reduce_sum3A_34[0, 0] : f32 from vector<1x1xf32>
      %add3A_36 = arith.addf %get3A_29, %reduce_sum3A_35 : f32
      %swap3A_37 = arith.constant 0 : index
      %swap3A_38 = arith.constant 0 : index
      %swap3A_39 = memref.load %arg4[%swap3A_37, %swap3A_38] : memref<1x1xf32, #tpu.memory_space<smem>>
      memref.store %add3A_36, %arg4[%swap3A_37, %swap3A_38] : memref<1x1xf32, #tpu.memory_space<smem>>
    } else {
    }
    return
  }
  func.func @transform_0(%arg0: i32) -> (i32, i32) {
    %min3A = arith.constant 15 : i32
    %min3A_0 = arith.minsi %arg0, %min3A : i32
    %c0_i32 = arith.constant 0 : i32
    %c0_i32_1 = arith.constant 0 : i32
    return %min3A_0, %c0_i32 : i32, i32
  }
  func.func @transform_1(%arg0: i32) -> (i32, i32) {
    %min3A = arith.constant 15 : i32
    %min3A_0 = arith.minsi %arg0, %min3A : i32
    %c0_i32 = arith.constant 0 : i32
    %c0_i32_1 = arith.constant 0 : i32
    return %min3A_0, %c0_i32 : i32, i32
  }
  func.func @transform_2(%arg0: i32) -> (i32, i32, i32) {
    %c0_i32 = arith.constant 0 : i32
    %c0_i32_0 = arith.constant 0 : i32
    %c0_i32_1 = arith.constant 0 : i32
    return %arg0, %c0_i32, %c0_i32_0 : i32, i32, i32
  }
  func.func @transform_3(%arg0: i32) -> (i32, i32) {
    %c0_i32 = arith.constant 0 : i32
    %c0_i32_0 = arith.constant 0 : i32
    %c0_i32_1 = arith.constant 0 : i32
    return %c0_i32, %c0_i32_0 : i32, i32
  }
  func.func @transform_4(%arg0: i32) -> (i32, i32) {
    %c0_i32 = arith.constant 0 : i32
    %c0_i32_0 = arith.constant 0 : i32
    %c0_i32_1 = arith.constant 0 : i32
    return %c0_i32, %c0_i32_0 : i32, i32
  }
}

</mosaic_0001>

<sc_bundles>
// kernel: kernel.4.cloned.1.call-start
scs
__scs_entry_jumppad:
0x0: {  	(pc) =	sbr.rel $0x88, $3  }
0x1: {  	(tag) =	ssettag $0x0;
	lr =	simm.s32 $0x1  }
0x2: {  	[smem:$0x3F9E] =	sst lr;
	_ =	strace $0xD0000000  }
0x3: {  	_ = 	snop  }
0x4: {  	_ = 	snop  }
0x5: {  	_ = 	snop  }
0x6: {  	_ = 	snop  }
0x7: {  	_ = 	snop  }
__scs_overlays_trampoline_lowered:
0x8: {  	[smem:$0x3FAD] =	sst s0  }
0x9: {  	[smem:$0x3FAE] =	sst s1  }
0xa: {  	[smem:$0x3FAF] =	sst s2  }
0xb: {  	[smem:$0x3FB0] =	sst s3  }
0xc: {  	[smem:$0x3FB1] =	sst s4  }
0xd: {  	[smem:$0x3FB2] =	sst s5  }
0xe: {  	[smem:$0x3FB3] =	sst s6  }
0xf: {  	[smem:$0x3FB4] =	sst s7  }
0x10: {  	[smem:$0x3FB5] =	sst s8  }
0x11: {  	[smem:$0x3FB6] =	sst s9;
	s0 =	simm.s32 @!p0 $0x0  }
0x12: {  	s1 =	sld [smem:$0x3F9C];
	s0 =	simm.s32 @p0 $0x1  }
0x13: {  	[smem:$0x3FB7] =	sst s0;
	s0 =	simm.s32 @!p1 $0x0  }
0x14: {  	s2 =	sld [smem:$0x3F9B];
	s0 =	simm.s32 @p1 $0x1  }
0x15: {  	[smem:$0x3FB8] =	sst s0;
	s0 =	simm.s32 @!p2 $0x0  }
0x16: {  	s3 =	sld [smem:$0x3FDB];
	s0 =	simm.s32 @p2 $0x1  }
0x17: {  	s4 =	simm.s32 $0x1BF5;
	[smem:$0x3FBA] =	sst s0  }
0x18: {  	s0 =	sld [smem:$0x3F9D];
	_ =	swait.ge [sflag:s4], $0x0  }
0x19: {  	s7 =	sld [smem:$0x3F9E]  }
0x1a: {  	s8 =	sadd.s32 $0xFFFFE003, lr  }
0x1b: {  	s9 =	sadd.s32 $0xFFFFFEF7, lr;
	s5 =	simm.s32 $0xFFFFFFFF;
	p2 =	slt.u32 s8, $0xFFFFF086  }
0x1c: {  	p1 =	slt.u32 s9, $0xF7A;
	s5 =	simm.s32 @!p2 $0x0  }
0x1d: {  	s5 =	simm.s32 @p1 $0x1;
	p0 =	seq.s32 s7, s2  }
0x1e: {  	s7 =	smul.u32 @!p0 $0xF7A, s2;
	p2 =	seq.s32 @!p0 s5, $0x0  }
0x1f: {  	s9 =	smul.u32 $0xF7A, s1;
	s8 =	simm.s32 @!p0 $0x1BF5;
	p2 =	por !p2, p0  }
0x20: {  	[sflag:s8] =	ssyncset.s32 @!p0 $0xFFFFF086;
	s6 =	sadd.s32 @!p0 s3, s7;
	s7 =	simm.s32 @!p0 $0x108  }
0x21: {  	s3 =	sadd.s32 s3, s9;
	s6 =	sadd.s32 @!p0 $0x88, s6;
	s7 =	simm.s32 @p2 $0x1082  }
0x22: {  	[simem:s7], [sflag:s8] =	dma.local @!p0 [hbm:s6], $0xF7A  }
0x23: {  	s9 =	sor.u32 $0xD0000000, s2;
	s6 =	simm.s32 $0x108;
	_ =	swait.ge @!p0 [sflag:s8], $0x0  }
0x24: {  	s3 =	sadd.s32 $0x88, s3;
	s6 =	simm.s32 @!p1 $0x1082;
	[sflag:s4] =	ssyncset.s32 $0xFFFFF086  }
0x25: {  	[simem:s6], [sflag:s4] =	dma.local [hbm:s3], $0xF7A  }
0x26: {  	[smem:$0x3F9E] =	sst s1;
	(tag) =	ssettag s2;
	_ =	strace s9  }
0x27: {  	s1 =	sld [smem:$0x3FAE]  }
0x28: {  	s2 =	sld [smem:$0x3FAF]  }
0x29: {  	s4 =	sld [smem:$0x3FB1]  }
0x2a: {  	p0 =	seq.s32 s5, $0x0;
	s5 =	sld [smem:$0x3FB2]  }
0x2b: {  	s6 =	sld [smem:$0x3FB3]  }
0x2c: {  	s7 =	sld [smem:$0x3FB4]  }
0x2d: {  	s3 =	simm.s32 $0x108;
	s8 =	sld [smem:$0x3FB5]  }
0x2e: {  	s3 =	simm.s32 @!p0 $0x1082;
	s9 =	sld [smem:$0x3FB6]  }
0x2f: {  	lr =	sadd.s32 s0, s3;
	s0 =	sld [smem:$0x3FAD]  }
0x30: {  	s3 =	sld [smem:$0x3FB0]  }
0x31: {  	[smem:$0x3FB9] =	sst s10  }
0x32: {  	s10 =	sld [smem:$0x3FB7];
	_ =	sdelay $0x3  }
0x33: {  	p0 =	seq.s32 s10, $0x1;
	s10 =	sld [smem:$0x3FB9];
	_ =	sdelay $0x3  }
0x34: {  	[smem:$0x3FB9] =	sst s10  }
0x35: {  	s10 =	sld [smem:$0x3FB8];
	_ =	sdelay $0x3  }
0x36: {  	p1 =	seq.s32 s10, $0x1;
	s10 =	sld [smem:$0x3FB9];
	_ =	sdelay $0x3  }
0x37: {  	[smem:$0x3FB9] =	sst s10  }
0x38: {  	s10 =	sld [smem:$0x3FBA]  }
0x39: {  	_ = 	snop;
	(pc) =	sbr.ind lr, $3  }
0x3a: {  	_ = 	snop  }
0x3b: {  	_ = 	snop  }
0x3c: {  	p2 =	seq.s32 s10, $0x1;
	s10 =	sld [smem:$0x3FB9]  }
0x3d: {  	_ =	shalt  }
0x3e: {  	_ =	shalt  }
0x3f: {  	_ =	shalt  }
0x40: {  	_ =	shalt  }
0x41: {  	_ =	shalt  }
0x42: {  	_ =	shalt  }
0x43: {  	_ =	shalt  }
0x44: {  	_ =	shalt  }
0x45: {  	_ =	shalt  }
0x46: {  	_ =	shalt  }
0x47: {  	_ =	shalt  }
0x48: {  	_ =	shalt  }
0x49: {  	_ =	shalt  }
0x4a: {  	_ =	shalt  }
0x4b: {  	_ =	shalt  }
0x4c: {  	_ =	shalt  }
0x4d: {  	_ =	shalt  }
0x4e: {  	_ =	shalt  }
0x4f: {  	_ =	shalt  }
0x50: {  	_ =	shalt  }
0x51: {  	_ =	shalt  }
0x52: {  	_ =	shalt  }
0x53: {  	_ =	shalt  }
0x54: {  	_ =	shalt  }
0x55: {  	_ =	shalt  }
0x56: {  	_ =	shalt  }
0x57: {  	_ =	shalt  }
0x58: {  	_ =	shalt  }
0x59: {  	_ =	shalt  }
0x5a: {  	_ =	shalt  }
0x5b: {  	_ =	shalt  }
0x5c: {  	_ =	shalt  }
0x5d: {  	_ =	shalt  }
0x5e: {  	_ =	shalt  }
0x5f: {  	_ =	shalt  }
0x60: {  	_ =	shalt  }
0x61: {  	_ =	shalt  }
0x62: {  	_ =	shalt  }
0x63: {  	_ =	shalt  }
0x64: {  	_ =	shalt  }
0x65: {  	_ =	shalt  }
0x66: {  	_ =	shalt  }
0x67: {  	_ =	shalt  }
0x68: {  	_ =	shalt  }
0x69: {  	_ =	shalt  }
0x6a: {  	_ =	shalt  }
0x6b: {  	_ =	shalt  }
0x6c: {  	_ =	shalt  }
0x6d: {  	_ =	shalt  }
0x6e: {  	_ =	shalt  }
0x6f: {  	_ =	shalt  }
0x70: {  	_ =	shalt  }
0x71: {  	_ =	shalt  }
0x72: {  	_ =	shalt  }
0x73: {  	_ =	shalt  }
0x74: {  	_ =	shalt  }
0x75: {  	_ =	shalt  }
0x76: {  	_ =	shalt  }
0x77: {  	_ =	shalt  }
0x78: {  	_ =	shalt  }
0x79: {  	_ =	shalt  }
0x7a: {  	_ =	shalt  }
0x7b: {  	_ =	shalt  }
0x7c: {  	_ =	shalt  }
0x7d: {  	_ =	shalt  }
0x7e: {  	_ =	shalt  }
0x7f: {  	_ =	shalt  }
0x80: {  	_ =	shalt  }
0x81: {  	_ =	shalt  }
0x82: {  	_ =	shalt  }
0x83: {  	_ =	shalt  }
0x84: {  	_ =	shalt  }
0x85: {  	_ =	shalt  }
0x86: {  	_ =	shalt  }
0x87: {  	_ =	shalt  }
.Lfunc_end0:
.L_simem_size_0:
called_computation_lowered:
.L_overlay_start_0:
0x88: {  	s2 =	sld [smem:$0x3FD9]  }
0x89: {  	s3 =	sld [smem:$0x3FFE];
	_ =	sdelay $0x1  }
0x8a: {  	s1 =	srdreg.scid  }
0x8b: {  	s0 =	sand.u32 $0x1, s1  }
0x8c: {  	s17 =	sshll.u32 s0, $0xA;
	s2 =	sadd.s32 s3, s2  }
0x8d: {  	s2 =	sadd.s32 s2, s17  }
0x8e: {  	[smem:$0x3FC5] =	sst s2  }
0x8f: {  	_ = 	snop  }
0x90: {  	s2 =	sld [smem:$0x3FC9]  }
0x91: {  	s18 =	sld [smem:$0x3FC8];
	(tm) =	ssettm $0x1  }
0x92: {  	s4 =	sld [smem:$0x3FFB];
	_ =	sdelay $0x3  }
0x93: {  	_ =	strace s4  }
0x94: {  	s4 =	sld [smem:$0x3FFC];
	_ =	sdelay $0x3  }
0x95: {  	_ =	strace s4  }
0x96: {  	s4 =	sld [smem:$0x3FFD];
	_ =	sdelay $0x3  }
0x97: {  	_ =	strace s4  }
0x98: {  	_ =	strace $0x8FFFFFFF  }
0x99: {  	s19 =	sld [smem:$0x3FDB];
	_ =	sdelay $0x1  }
0x9a: {  	s5 =	simm.s32 $_scs_section_size  }
0x9b: {  	s6 =	simm.s32 $_size__tile_overlayer_lowered;
	s7 =	simm.s32 $_tile_overlayer_lowered  }
0x9c: {  	s22 =	simm.s32 $0x1BFF;
	s21 =	sshll.u32 s7, $0x1;
	s4 =	sadd.s32 s5, s19  }
0x9d: {  	s8 =	simm.s32 $0x0;
	s20 =	sshll.u32 s6, $0x1;
	s6 =	sadd.s32 s21, s4  }
0x9e: {  	[timem:s8], [sflag:s22] =	dma.local [hbm:s6], s20  }
0x9f: {  	_ =	swait.ge [sflag:s22], s20  }
0xa0: {  	s5 =	ssub.s32 $0x0, s20;
	[sflag:s22] =	ssyncset.done $0x0  }
0xa1: {  	[sflag:s22] =	ssyncadd.s32 s5;
	_ =	sdelay $0x1  }
0xa2: {  	s23 =	simm.s32 $0x1B8B  }
0xa3: {  	_ =	swait.ge [sflag:s23], $0x1  }
0xa4: {  	[sflag:s23] =	ssyncset.done $0x0  }
0xa5: {  	s25 =	simm.s32 $0x1B8E;
	s24 =	sld [smem:$0x3FFE];
	[sflag:s23] =	ssyncadd.s32 $0xFFFFFFFF  }
0xa6: {  	s26 =	simm.s32 $execute0_lowered;
	[smem:$0x3FD2] =	sst s25  }
0xa7: {  	s6 =	sshll.u32 s26, $0x1;
	_ =	strace $0x80000046;
	[dreg:$0x1] =	wrdreg $0xFFFFFFFF  }
0xa8: {  	s28 =	simm.s32 $_size_execute0_lowered;
	s4 =	sadd.s32 s4, s6;
	[dreg:$0x0] =	wrdreg $0x0  }
0xa9: {  	s6 =	sshll.u32 s28, $0x1;
	[dreg:$0x2] =	wrdreg s4  }
0xaa: {  	[dreg:$0x3] =	wrdreg s6  }
0xab: {  	[dreg:$0x4] =	wrdreg $0xC0  }
0xac: {  	_ =	task [dreg:s8], $0x5FFFF  }
0xad: {  	[dreg:$0x1] =	wrdreg $0xFFFFFFFF  }
0xae: {  	[dreg:$0x0] =	wrdreg $0x60  }
0xaf: {  	[dreg:$0x2] =	wrdreg s2  }
0xb0: {  	[dreg:$0x3] =	wrdreg s18  }
0xb1: {  	[dreg:$0x4] =	wrdreg s24  }
0xb2: {  	[dreg:$0x5] =	wrdreg $0x9  }
0xb3: {  	_ =	task.clear_ibuf [dreg:s8], $0x6FFFF;
	_ =	strace $0x90000046  }
0xb4: {  	s29 =	simm.s32 $0x9;
	_ =	strace $0x80000048  }
0xb5: {  	_ =	swait.ge [sflag:s29], $0x1  }
0xb6: {  	[sflag:s29] =	ssyncadd.s32 $0xFFFFFFFF  }
0xb7: {  	_ =	strace $0x90000048  }
0xb8: {  	_ =	sfence  }
0xb9: {  	s30 =	sld [smem:$0x0];
	_ =	sdelay $0x2  }
0xba: {  	s31 =	sshll.u32 s1, $0xD;
	s1 =	sshrl.u32 s1, $0x2  }
0xbb: {  	s3 =	sand.u32 $0x4000, s31;
	s1 =	sadd.s32 s1, s30  }
0xbc: {  	s0 =	sor.u32 s3, s0;
	s1 =	sshll.u32 s1, $0x11  }
0xbd: {  	s0 =	sor.u32 s1, s0  }
0xbe: {  	s0 =	sadd.s32 $0x8F2B, s0  }
0xbf: {  	[sflag:s0] =	ssyncadd.remote.s32 $0x1  }
0xc0: {  	_ =	sfence.sel $0xFFFF  }
0xc1: {  	[dreg:$0x0] =	wrdreg $0xFFFFFFFF;
	(pc) =	sbr.abs _section_cstart, $3  }
0xc2: {  	[dreg:$0x1] =	wrdreg $0xFFFFFFFF  }
0xc3: {  	_ =	task.clear_ibuf [dreg:s8], $0x2FFFF;
	_ =	strace $0x9FFFFFFF  }
0xc4: {  	(tm) =	ssettm $0x7FFFFFFF  }
0xc5: {  	_ =	shalt  }
tec
execute0_lowered:
.L_overlay_start_1:
0x0: {  	(tag) =	ssettag $0x1  }
0x1: {  	s1 =	rddreg [dreg:$0x0]  }
0x2: {  	s3 =	rddreg [dreg:$0x1]  }
0x3: {  	s0 =	rddreg [dreg:$0x2]  }
0x4: {  	s2 =	srdreg.scid;
	s7 =	stileid.u32;
	s4 =	simm.s32 $0x0  }
0x5: {  	s16 =	simm.s32 $0x1;
	s17 =	simm.s32 $0x2;
	s18 =	simm.s32 $0x4  }
0x6: {  	s19 =	simm.s32 $0x3;
	s20 =	simm.s32 $0x5;
	s21 =	simm.s32 $0x6  }
0x7: {  	s22 =	simm.s32 $0x0;
	s25 =	simm.s32 $0x0;
	s2 =	sand.u32 $0x1, s2  }
0x8: {  	s5 =	sshll.u32 s7, $0xA;
	[smem:$0x7FF] =	sst s4;
	s7 =	sshll.u32 s7, $0x4  }
0x9: {  	s9 =	sadd.s32 $0x300, s1;
	s10 =	sadd.s32 $0x100, s3;
	s6 =	sshll.u32 s2, $0x9  }
0xa: {  	s11 =	sadd.s32 $0x200, s3;
	s12 =	sadd.s32 $0x300, s3;
	s5 =	sor.u32 s6, s5  }
0xb: {  	_ =	strace $0x80000047;
	s8 =	ssub.s32 $0x2, s2;
	s5 =	sor.u32 $0x4000, s5  }
.Ltmp0:
0xc: {  	s2 =	sshll.u32 s2, $0x8;
	s30 =	sshrl.u32 s5, $0x3;
	(pc) =	sbr.rel .LBB2_1-.Ltmp0, $4  }
0xd: {  	s31 =	sshrl.u32 s8, $0x1;
	s6 =	sadd.s32 s30, s0;
	s0 =	sadd.s32 s7, s0  }
0xe: {  	v1 =	vlaneseq.u32;
	v2 =	vimm.f32 $0.0e+00;
	s14 =	ssub.s32 s8, s31;
	s6 =	sadd.s32 $0x1600, s6;
	s0 =	sadd.s32 s2, s0  }
0xf: {  	vm0 =	vmmov $0xffff;
	v3 =	vand.u32 $0x7, v1;
	v4 =	vshrl.u32 v1, $0x3;
	s8 =	sadd.s32 $0x200, s1;
	[dreg:$0x4] =	wrdreg s6;
	s0 =	sadd.s32 $0x2600, s0  }
0x10: {  	v5 =	vor.u32 $0x8, v1;
	v4 =	vmul.u32 $0x8, v4;
	s14 =	smax.u32 s14, $0x1;
	v0 =	vmov s5;
	s7 =	sadd.s32 $0x100, s1;
	[dreg:$0x5] =	wrdreg s0  }
.LBB2_12:
0x11: {  	s22 =	sadd.s32 $0x1, s22  }
0x12: {  	p0 =	sne.s32 s22, s14  }
.Ltmp1:
0x13: {  	s0 =	rddreg [dreg:$0x5];
	(pc) =	sbr.rel @!p0 .LBB2_13-.Ltmp1, $4  }
0x14: {  	[hbm4b:s0+s4] =	stream.linear.scatter [tilespmem:s4], [sflag:$0x6], $0x80, $0x38;
	[tilespmem:$0x10500] =	vst v63  }
0x15: {  	_ =	swait.ge [sflag:s21], $0x80  }
0x16: {  	[sflag:s21] =	ssyncset.done $0x0  }
0x17: {  	[sflag:s21] =	ssyncadd.s32 $0xFFFFFF80  }
.LBB2_1:
0x18: {  	[tilespmem:$0x0] =	vst v2;
	s0 =	rddreg [dreg:$0x4];
	s2 =	simm.s32 $0x80  }
0x19: {  	[tilespmem:s2], [sflag:$0x1] =	stream.linear.gather [hbm4b:s0+s4], $0x200, $0x38;
	[tilespmem:$0x10500] =	vst v63  }
0x1a: {  	_ =	swait.ge [sflag:s16], $0x200  }
0x1b: {  	[sflag:s16] =	ssyncset.done $0x0  }
0x1c: {  	s31 =	simm.s32 $0x0;
	[sflag:s16] =	ssyncadd.s32 $0xFFFFFE00  }
0x1d: {  	v6 =	vld [tilespmem:s31+$0x80];
	_ =	sdelay $0x4  }
0x1e: {  	vm1 =	vne.s32 v6, $0x0  }
0x1f: {  	v6 =	vmpcnt.ones.xlane vm1;
	_ =	sdelay $0x1  }
0x20: {  	(v2sf) =	vpush v6, $0x0;
	_ =	sdelay $0x5  }
0x21: {  	v7 =	vor.u32 s5, v1;
	s15 =	simm.s32 $0x10  }
0x22: {  	s6 =	simm.s32 $0x80;
	s0 =	smov.u32 s5;
	s2 =	simm.s32 $0x0;
	[tilespmem:s4+$0x280] =	vst.msk vm1, v7  }
.LBB2_2:
0x23: {  	p0 =	sne.s32 s6, $0x7C0;
	v6 =	vld [tilespmem:s15+$0x80];
	_ =	sdelay $0x4  }
0x24: {  	vm1 =	vne.s32 v6, $0x0  }
0x25: {  	v6 =	vmpcnt.ones.xlane vm1  }
0x26: {  	s0 =	sadd.s32 $0x10, s0;
	s15 =	spop (v2sf)  }
0x27: {  	v7 =	vor.u32 s0, v1;
	(v2sf) =	vpush v6, $0x0;
	s2 =	sadd.s32 s2, s15  }
0x28: {  	[tilespmem:s2+$0x280] =	vst.msk vm1, v7;
	_ =	sdelay $0x1  }
.Ltmp2:
0x29: {  	(pc) =	sbr.rel @p0 .LBB2_2-.Ltmp2, $2  }
0x2a: {  	_ =	sdelay $0x2  }
0x2b: {  	s15 =	sshra.s32 s6, $0x2;
	s6 =	sadd.s32 $0x40, s6  }
0x2c: {  	v6 =	vld [tilespmem:s15+$0x80];
	_ =	sdelay $0x4  }
0x2d: {  	vm1 =	vne.s32 v6, $0x0  }
0x2e: {  	v6 =	vmpcnt.ones.xlane vm1;
	_ =	sdelay $0x1  }
0x2f: {  	(v2sf) =	vpush v6, $0x0;
	_ =	sdelay $0xd  }
0x30: {  	s6 =	spop (v2sf)  }
0x31: {  	s2 =	sadd.s32 s2, s6;
	s29 =	spop (v2sf)  }
0x32: {  	s23 =	sadd.s32 s2, s29  }
0x33: {  	s6 =	sadd.s32 $0xF, s23  }
0x34: {  	s30 =	sand.u32 $0xF, s6  }
0x35: {  	s31 =	sshra.s32 s6, $0x1F;
	p1 =	slt.s32 s6, $0x1;
	p0 =	sne.s32 s30, $0x0  }
0x36: {  	s15 =	sshrl.u32 s31, $0x1C;
	p0 =	por !p1, !p0  }
0x37: {  	s6 =	sadd.s32 s15, s6;
	s15 =	simm.s32 $0x1;
	p0 =	por !p0, !p0  }
0x38: {  	s6 =	sshra.s32 s6, $0x4;
	s15 =	simm.s32 @!p0 $0x0  }
0x39: {  	s24 =	ssub.s32 s6, s15  }
0x3a: {  	p0 =	slt.s32 s24, $0x1  }
.Ltmp3:
0x3b: {  	_ = 	snop;
	(pc) =	sbr.rel @p0 .LBB2_12-.Ltmp3, $4  }
0x3c: {  	s0 =	sadd.s32 $0x10, s0  }
0x3d: {  	v6 =	vor.u32 s0, v1  }
0x3e: {  	[tilespmem:s2+$0x280] =	vst.msk vm1, v6  }
0x3f: {  	[tilespmem:s23+$0x280] =	vst v0  }
0x40: {  	v6 =	vld [tilespmem:$0x280];
	_ =	sdelay $0x4  }
0x41: {  	v7 =	vshll.u32 v6, $0x3  }
0x42: {  	v6 =	vand.u32 $0x7, v6;
	v7 =	vand.u32 $0xFFFFFFC0, v7  }
0x43: {  	v6 =	vor.u32 v6, v7  }
0x44: {  	v7 =	vperm.xlane v6, v3;
	_ =	sdelay $0x1  }
0x45: {  	v7 =	vadd.s32 v4, v7;
	_ =	sdelay $0x3  }
0x46: {  	s0 =	simm.s32 $0x500  }
0x47: {  	[tilespmem:s0], [sflag:$0x2] =	stream.indirect_vreg.gather [hbm4b:s1+s25], $0x80, v7, vm0, $0xb8;
	[tilespmem:$0x10500] =	vst v63  }
0x48: {  	s29 =	simm.s32 $0xD00;
	v6 =	vperm.xlane v6, v5  }
0x49: {  	[tilespmem:s29], [sflag:$0x2] =	stream.indirect_vreg.gather [hbm4b:s7+s25], $0x80, v7, vm0, $0xb8;
	[tilespmem:$0x10500] =	vst v63  }
0x4a: {  	s31 =	simm.s32 $0x1500;
	v6 =	vadd.s32 v4, v6  }
0x4b: {  	[tilespmem:s31], [sflag:$0x2] =	stream.indirect_vreg.gather [hbm4b:s8+s25], $0x80, v7, vm0, $0xb8;
	[tilespmem:$0x10500] =	vst v63  }
0x4c: {  	s2 =	simm.s32 $0x1D00  }
0x4d: {  	[tilespmem:s2], [sflag:$0x2] =	stream.indirect_vreg.gather [hbm4b:s9+s25], $0x80, v7, vm0, $0xb8;
	[tilespmem:$0x10500] =	vst v63  }
0x4e: {  	s6 =	simm.s32 $0x2500  }
0x4f: {  	[tilespmem:s6], [sflag:$0x2] =	stream.indirect_vreg.gather [hbm4b:s1+s25], $0x80, v6, vm0, $0xb8;
	[tilespmem:$0x10500] =	vst v63  }
0x50: {  	s13 =	simm.s32 $0x2D00  }
0x51: {  	[tilespmem:s13], [sflag:$0x2] =	stream.indirect_vreg.gather [hbm4b:s7+s25], $0x80, v6, vm0, $0xb8;
	[tilespmem:$0x10500] =	vst v63  }
0x52: {  	s15 =	simm.s32 $0x3500  }
0x53: {  	[tilespmem:s15], [sflag:$0x2] =	stream.indirect_vreg.gather [hbm4b:s8+s25], $0x80, v6, vm0, $0xb8;
	[tilespmem:$0x10500] =	vst v63  }
0x54: {  	s26 =	simm.s32 $0x3D00  }
0x55: {  	[tilespmem:s26], [sflag:$0x2] =	stream.indirect_vreg.gather [hbm4b:s9+s25], $0x80, v6, vm0, $0xb8;
	[tilespmem:$0x10500] =	vst v63  }
0x56: {  	v6 =	vld [tilespmem:$0x280];
	_ =	sdelay $0x4  }
0x57: {  	v7 =	vshll.u32 v6, $0x3  }
0x58: {  	v6 =	vand.u32 $0x7, v6;
	v7 =	vand.u32 $0xFFFFFFC0, v7  }
0x59: {  	v6 =	vor.u32 v6, v7  }
0x5a: {  	v7 =	vperm.xlane v6, v3;
	_ =	sdelay $0x1  }
0x5b: {  	v7 =	vadd.s32 v4, v7;
	_ =	sdelay $0x3  }
0x5c: {  	s29 =	simm.s32 $0x8500  }
0x5d: {  	[tilespmem:s29], [sflag:$0x4] =	stream.indirect_vreg.gather [hbm4b:s3+s25], $0x80, v7, vm0, $0xb8;
	[tilespmem:$0x10500] =	vst v63  }
0x5e: {  	s31 =	simm.s32 $0x8D00;
	v6 =	vperm.xlane v6, v5  }
0x5f: {  	[tilespmem:s31], [sflag:$0x4] =	stream.indirect_vreg.gather [hbm4b:s10+s25], $0x80, v7, vm0, $0xb8;
	[tilespmem:$0x10500] =	vst v63  }
0x60: {  	s2 =	simm.s32 $0x9500;
	v6 =	vadd.s32 v4, v6  }
0x61: {  	[tilespmem:s2], [sflag:$0x4] =	stream.indirect_vreg.gather [hbm4b:s11+s25], $0x80, v7, vm0, $0xb8;
	[tilespmem:$0x10500] =	vst v63  }
0x62: {  	s6 =	simm.s32 $0x9D00  }
0x63: {  	[tilespmem:s6], [sflag:$0x4] =	stream.indirect_vreg.gather [hbm4b:s12+s25], $0x80, v7, vm0, $0xb8;
	[tilespmem:$0x10500] =	vst v63  }
0x64: {  	s13 =	simm.s32 $0xA500  }
0x65: {  	[tilespmem:s13], [sflag:$0x4] =	stream.indirect_vreg.gather [hbm4b:s3+s25], $0x80, v6, vm0, $0xb8;
	[tilespmem:$0x10500] =	vst v63  }
0x66: {  	s15 =	simm.s32 $0xAD00  }
0x67: {  	[tilespmem:s15], [sflag:$0x4] =	stream.indirect_vreg.gather [hbm4b:s10+s25], $0x80, v6, vm0, $0xb8;
	[tilespmem:$0x10500] =	vst v63  }
.Ltmp4:
0x68: {  	s28 =	simm.s32 $0x10;
	(pc) =	sbr.rel .LBB2_5-.Ltmp4, $4  }
0x69: {  	s30 =	simm.s32 $0x0;
	s26 =	simm.s32 $0xB500;
	s31 =	sadd.s32 $0x1, s24  }
0x6a: {  	[tilespmem:s26], [sflag:$0x4] =	stream.indirect_vreg.gather [hbm4b:s11+s25], $0x80, v6, vm0, $0xb8;
	[tilespmem:$0x10500] =	vst v63  }
0x6b: {  	s0 =	simm.s32 $0x0;
	s29 =	simm.s32 $0xBD00;
	s26 =	sshrl.u32 s31, $0x1  }
0x6c: {  	[tilespmem:s29], [sflag:$0x4] =	stream.indirect_vreg.gather [hbm4b:s12+s25], $0x80, v6, vm0, $0xb8;
	[tilespmem:$0x10500] =	vst v63  }
.LBB2_11:
0x6d: {  	s30 =	sadd.s32 $0x1, s30  }
0x6e: {  	p0 =	sne.s32 s30, s26  }
.Ltmp5:
0x6f: {  	_ = 	snop;
	(pc) =	sbr.rel @!p0 .LBB2_12-.Ltmp5, $2  }
0x70: {  	_ =	sdelay $0x2  }
0x71: {  	s0 =	sadd.s32 $0x20, s0;
	s28 =	sadd.s32 $0x20, s28  }
.LBB2_5:
0x72: {  	s2 =	sshllo.u32 s30, $0x1  }
0x73: {  	p0 =	sge.s32 s2, s24  }
0x74: {  	s2 =	sshll.u32 @!p0 s2, $0x6  }
0x75: {  	s2 =	sshra.s32 @!p0 s2, $0x2  }
0x76: {  	v6 =	vld @!p0 [tilespmem:s2+$0x280];
	_ =	sdelay $0x4  }
0x77: {  	v7 =	vshll.u32 @!p0 v6, $0x3  }
0x78: {  	v8 =	vlaneseq.u32 @!p0;
	v6 =	vand.u32 @!p0 $0x7, v6;
	v7 =	vand.u32 @!p0 $0xFFFFFFC0, v7  }
0x79: {  	v9 =	vshrl.u32 @!p0 v8, $0x3;
	v6 =	vor.u32 @!p0 v6, v7;
	v7 =	vand.u32 @!p0 $0x7, v8  }
0x7a: {  	v9 =	vmul.u32 @!p0 $0x8, v9;
	v10 =	vperm.xlane @!p0 v6, v7;
	_ =	sdelay $0x1  }
0x7b: {  	v10 =	vadd.s32 @!p0 v9, v10;
	_ =	sdelay $0x3  }
0x7c: {  	vm1 =	vmmov @!p0 $0xffff;
	s6 =	simm.s32 @!p0 $0x0;
	s15 =	simm.s32 @!p0 $0x4500  }
0x7d: {  	v8 =	vor.u32 @!p0 $0x8, v8;
	[tilespmem:s15], [sflag:$0x3] =	stream.indirect_vreg.gather @!p0 [hbm4b:s1+s6], $0x80, v10, vm1, $0xb8;
	[tilespmem:$0x10500] =	vst v63  }
0x7e: {  	v6 =	vperm.xlane @!p0 v6, v8;
	s15 =	simm.s32 @!p0 $0x4D00  }
0x7f: {  	[tilespmem:s15], [sflag:$0x3] =	stream.indirect_vreg.gather @!p0 [hbm4b:s7+s6], $0x80, v10, vm1, $0xb8;
	[tilespmem:$0x10500] =	vst v63  }
0x80: {  	v6 =	vadd.s32 @!p0 v9, v6;
	s15 =	simm.s32 @!p0 $0x5500  }
0x81: {  	[tilespmem:s15], [sflag:$0x3] =	stream.indirect_vreg.gather @!p0 [hbm4b:s8+s6], $0x80, v10, vm1, $0xb8;
	[tilespmem:$0x10500] =	vst v63  }
0x82: {  	s15 =	simm.s32 @!p0 $0x5D00  }
0x83: {  	[tilespmem:s15], [sflag:$0x3] =	stream.indirect_vreg.gather @!p0 [hbm4b:s9+s6], $0x80, v10, vm1, $0xb8;
	[tilespmem:$0x10500] =	vst v63  }
0x84: {  	s15 =	simm.s32 @!p0 $0x6500  }
0x85: {  	[tilespmem:s15], [sflag:$0x3] =	stream.indirect_vreg.gather @!p0 [hbm4b:s1+s6], $0x80, v6, vm1, $0xb8;
	[tilespmem:$0x10500] =	vst v63  }
0x86: {  	s15 =	simm.s32 @!p0 $0x6D00  }
0x87: {  	[tilespmem:s15], [sflag:$0x3] =	stream.indirect_vreg.gather @!p0 [hbm4b:s7+s6], $0x80, v6, vm1, $0xb8;
	[tilespmem:$0x10500] =	vst v63  }
0x88: {  	s15 =	simm.s32 @!p0 $0x7500  }
0x89: {  	[tilespmem:s15], [sflag:$0x3] =	stream.indirect_vreg.gather @!p0 [hbm4b:s8+s6], $0x80, v6, vm1, $0xb8;
	[tilespmem:$0x10500] =	vst v63  }
0x8a: {  	s15 =	simm.s32 @!p0 $0x7D00  }
0x8b: {  	[tilespmem:s15], [sflag:$0x3] =	stream.indirect_vreg.gather @!p0 [hbm4b:s9+s6], $0x80, v6, vm1, $0xb8;
	[tilespmem:$0x10500] =	vst v63  }
0x8c: {  	v6 =	vld @!p0 [tilespmem:s2+$0x280];
	_ =	sdelay $0x4  }
0x8d: {  	v10 =	vshll.u32 @!p0 v6, $0x3  }
0x8e: {  	v6 =	vand.u32 @!p0 $0x7, v6;
	v10 =	vand.u32 @!p0 $0xFFFFFFC0, v10  }
0x8f: {  	v6 =	vor.u32 @!p0 v6, v10  }
0x90: {  	v7 =	vperm.xlane @!p0 v6, v7;
	_ =	sdelay $0x1  }
0x91: {  	v7 =	vadd.s32 @!p0 v9, v7;
	_ =	sdelay $0x3  }
0x92: {  	s2 =	simm.s32 @!p0 $0xC500  }
0x93: {  	[tilespmem:s2], [sflag:$0x5] =	stream.indirect_vreg.gather @!p0 [hbm4b:s3+s6], $0x80, v7, vm1, $0xb8;
	[tilespmem:$0x10500] =	vst v63  }
0x94: {  	v6 =	vperm.xlane @!p0 v6, v8;
	s2 =	simm.s32 @!p0 $0xCD00  }
0x95: {  	[tilespmem:s2], [sflag:$0x5] =	stream.indirect_vreg.gather @!p0 [hbm4b:s10+s6], $0x80, v7, vm1, $0xb8;
	[tilespmem:$0x10500] =	vst v63  }
0x96: {  	v6 =	vadd.s32 @!p0 v9, v6;
	s2 =	simm.s32 @!p0 $0xD500  }
0x97: {  	[tilespmem:s2], [sflag:$0x5] =	stream.indirect_vreg.gather @!p0 [hbm4b:s11+s6], $0x80, v7, vm1, $0xb8;
	[tilespmem:$0x10500] =	vst v63  }
0x98: {  	s2 =	simm.s32 @!p0 $0xDD00  }
0x99: {  	[tilespmem:s2], [sflag:$0x5] =	stream.indirect_vreg.gather @!p0 [hbm4b:s12+s6], $0x80, v7, vm1, $0xb8;
	[tilespmem:$0x10500] =	vst v63  }
0x9a: {  	s2 =	simm.s32 @!p0 $0xE500  }
0x9b: {  	[tilespmem:s2], [sflag:$0x5] =	stream.indirect_vreg.gather @!p0 [hbm4b:s3+s6], $0x80, v6, vm1, $0xb8;
	[tilespmem:$0x10500] =	vst v63  }
0x9c: {  	s2 =	simm.s32 @!p0 $0xED00  }
0x9d: {  	[tilespmem:s2], [sflag:$0x5] =	stream.indirect_vreg.gather @!p0 [hbm4b:s10+s6], $0x80, v6, vm1, $0xb8;
	[tilespmem:$0x10500] =	vst v63  }
0x9e: {  	s2 =	simm.s32 @!p0 $0xF500  }
0x9f: {  	[tilespmem:s2], [sflag:$0x5] =	stream.indirect_vreg.gather @!p0 [hbm4b:s11+s6], $0x80, v6, vm1, $0xb8;
	[tilespmem:$0x10500] =	vst v63  }
0xa0: {  	s2 =	simm.s32 @!p0 $0xFD00  }
0xa1: {  	[tilespmem:s2], [sflag:$0x5] =	stream.indirect_vreg.gather @!p0 [hbm4b:s12+s6], $0x80, v6, vm1, $0xb8;
	[tilespmem:$0x10500] =	vst v63  }
0xa2: {  	_ =	swait.ge [sflag:s17], $0x4000  }
0xa3: {  	[sflag:s17] =	ssyncset.done $0x0  }
0xa4: {  	[sflag:s17] =	ssyncadd.s32 $0xFFFFC000  }
0xa5: {  	_ =	swait.ge [sflag:s18], $0x4000  }
0xa6: {  	s13 =	sand.u32 $0x380, s25;
	s6 =	sand.u32 $0x2000, s25;
	[sflag:s18] =	ssyncset.done $0x0  }
0xa7: {  	s2 =	sor.u32 s6, s13;
	[sflag:s18] =	ssyncadd.s32 $0xFFFFC000  }
0xa8: {  	v6 =	vld [tilespmem:s2+$0x940]  }
0xa9: {  	v7 =	vld [tilespmem:s2+$0x8940]  }
0xaa: {  	v8 =	vld [tilespmem:s2+$0x950]  }
0xab: {  	v9 =	vld [tilespmem:s2+$0x8950]  }
0xac: {  	v10 =	vld [tilespmem:s2+$0x960]  }
0xad: {  	v11 =	vld [tilespmem:s2+$0x8960]  }
0xae: {  	v12 =	vld [tilespmem:s2+$0x970]  }
0xaf: {  	v13 =	vld [tilespmem:s2+$0x8970]  }
0xb0: {  	v14 =	vld [tilespmem:s2+$0x900]  }
0xb1: {  	v15 =	vld [tilespmem:s2+$0x8900]  }
0xb2: {  	v16 =	vld [tilespmem:s2+$0x910]  }
0xb3: {  	v17 =	vld [tilespmem:s2+$0x8910]  }
0xb4: {  	v18 =	vld [tilespmem:s2+$0x920]  }
0xb5: {  	v19 =	vld [tilespmem:s2+$0x8920]  }
0xb6: {  	v20 =	vld [tilespmem:s2+$0x8500]  }
0xb7: {  	v21 =	vld [tilespmem:s2+$0x500]  }
0xb8: {  	v22 =	vld [tilespmem:s2+$0x540]  }
0xb9: {  	v23 =	vld [tilespmem:s2+$0x8540]  }
0xba: {  	v24 =	vld [tilespmem:s2+$0x510]  }
0xbb: {  	v25 =	vld [tilespmem:s2+$0x8510]  }
0xbc: {  	v26 =	vld [tilespmem:s2+$0x550]  }
0xbd: {  	v27 =	vld [tilespmem:s2+$0x8550]  }
0xbe: {  	v28 =	vld [tilespmem:s2+$0x520]  }
0xbf: {  	v29 =	vld [tilespmem:s2+$0x8520]  }
0xc0: {  	v30 =	vld [tilespmem:s2+$0x560]  }
0xc1: {  	v31 =	vld [tilespmem:s2+$0x8560];
	v6 =	vsub.f32 v6, v7  }
0xc2: {  	v32 =	vld [tilespmem:s2+$0x530];
	v7 =	vsub.f32 v8, v9;
	v9 =	vsub.f32 v10, v11  }
0xc3: {  	v33 =	vld [tilespmem:s2+$0x8530];
	v10 =	vsub.f32 v12, v13;
	v12 =	vsub.f32 v14, v15  }
0xc4: {  	v8 =	vld [tilespmem:s2+$0x570];
	v13 =	vsub.f32 v16, v17;
	v14 =	vsub.f32 v21, v20  }
0xc5: {  	v11 =	vld [tilespmem:s2+$0x8570];
	v15 =	vsub.f32 v22, v23;
	v17 =	vsub.f32 v24, v25  }
0xc6: {  	v16 =	vld [tilespmem:s2+$0x930];
	v21 =	vsub.f32 v26, v27;
	v22 =	vsub.f32 v28, v29  }
0xc7: {  	v20 =	vld [tilespmem:s2+$0x8930];
	v23 =	vsub.f32 v30, v31;
	v6 =	vmul.f32 v6, v6;
	v7 =	vmul.f32 v7, v7  }
0xc8: {  	v24 =	vsub.f32 v32, v33;
	v12 =	vmul.f32 v12, v12;
	v13 =	vmul.f32 v13, v13  }
0xc9: {  	v18 =	vsub.f32 v18, v19;
	v14 =	vmul.f32 v14, v14;
	v15 =	vmul.f32 v15, v15  }
0xca: {  	v17 =	vmul.f32 v17, v17;
	v19 =	vmul.f32 v24, v24;
	v8 =	vsub.f32 v8, v11  }
0xcb: {  	v11 =	vmul.f32 v21, v21;
	v21 =	vmul.f32 v22, v22  }
0xcc: {  	v22 =	vmul.f32 v23, v23;
	v16 =	vsub.f32 v16, v20;
	v8 =	vmul.f32 v8, v8  }
0xcd: {  	v14 =	vadd.f32 v15, v14;
	v15 =	vmul.f32 v18, v18;
	v11 =	vadd.f32 v11, v17  }
0xce: {  	v17 =	vadd.f32 v22, v21;
	v16 =	vmul.f32 v16, v16;
	v8 =	vadd.f32 v8, v19  }
0xcf: {  	v9 =	vmul.f32 v9, v9;
	v12 =	vadd.f32 v12, v14;
	v11 =	vadd.f32 v13, v11  }
0xd0: {  	v10 =	vmul.f32 v10, v10;
	v13 =	vadd.f32 v15, v17;
	v8 =	vadd.f32 v16, v8  }
0xd1: {  	v6 =	vadd.f32 v6, v12;
	v7 =	vadd.f32 v7, v11  }
0xd2: {  	v9 =	vadd.f32 v9, v13;
	v8 =	vadd.f32 v10, v8;
	_ =	sdelay $0x1  }
0xd3: {  	v6 =	vadd.f32 v7, v6;
	v7 =	vadd.f32 v8, v9  }
0xd4: {  	v8 =	vld [tilespmem:$0x0]  }
0xd5: {  	p1 =	slt.s32 s0, s23;
	s2 =	simm.f32 $1.000000000e+00;
	v6 =	vadd.f32 v7, v6  }
0xd6: {  	s2 =	simm.s32 @!p1 $0x0  }
0xd7: {  	v6 =	vmul.f32 s2, v6;
	_ =	sdelay $0x1  }
0xd8: {  	s15 =	simm.s32 $0x400;
	s2 =	simm.s32 $0x80;
	v6 =	vadd.f32 v8, v6  }
0xd9: {  	s6 =	sand.u32 $0x2000, s15;
	s13 =	sand.u32 $0x380, s2  }
0xda: {  	s6 =	sor.u32 s6, s13;
	[tilespmem:$0x0] =	vst v6  }
0xdb: {  	v31 =	vld [tilespmem:s6+$0x940]  }
0xdc: {  	v62 =	vld [tilespmem:s6+$0x8940]  }
0xdd: {  	v63 =	vld [tilespmem:s6+$0x950]  }
0xde: {  	v34 =	vld [tilespmem:s6+$0x8950]  }
0xdf: {  	v9 =	vld [tilespmem:s6+$0x960]  }
0xe0: {  	v10 =	vld [tilespmem:s6+$0x8960]  }
0xe1: {  	v11 =	vld [tilespmem:s6+$0x970]  }
0xe2: {  	v13 =	vld [tilespmem:s6+$0x8970]  }
0xe3: {  	v12 =	vld [tilespmem:s6+$0x900]  }
0xe4: {  	v14 =	vld [tilespmem:s6+$0x8900]  }
0xe5: {  	v15 =	vld [tilespmem:s6+$0x910]  }
0xe6: {  	v16 =	vld [tilespmem:s6+$0x8910]  }
0xe7: {  	v7 =	vld [tilespmem:s6+$0x920]  }
0xe8: {  	v8 =	vld [tilespmem:s6+$0x8920]  }
0xe9: {  	v19 =	vld [tilespmem:s6+$0x8500]  }
0xea: {  	v23 =	vld [tilespmem:s6+$0x500]  }
0xeb: {  	v25 =	vld [tilespmem:s6+$0x540]  }
0xec: {  	v29 =	vld [tilespmem:s6+$0x8540]  }
0xed: {  	v24 =	vld [tilespmem:s6+$0x510]  }
0xee: {  	v28 =	vld [tilespmem:s6+$0x8510]  }
0xef: {  	v17 =	vld [tilespmem:s6+$0x550]  }
0xf0: {  	v20 =	vld [tilespmem:s6+$0x8550]  }
0xf1: {  	v18 =	vld [tilespmem:s6+$0x520]  }
0xf2: {  	v22 =	vld [tilespmem:s6+$0x8520]  }
0xf3: {  	v21 =	vld [tilespmem:s6+$0x560]  }
0xf4: {  	v26 =	vld [tilespmem:s6+$0x8560]  }
0xf5: {  	v27 =	vld [tilespmem:s6+$0x530]  }
0xf6: {  	s31 =	sshll.u32 s30, $0x1;
	s29 =	smov.u32 s0;
	s15 =	simm.s32 $0x800;
	v30 =	vld [tilespmem:s6+$0x8530];
	v32 =	vsub.f32 v31, v62;
	v31 =	vsub.f32 v63, v34  }
.LBB2_6:
0xf7: {  	p1 =	sne.s32 s15, $0x3C00;
	v33 =	vld [tilespmem:s6+$0x570];
	v9 =	vsub.f32 v9, v10;
	v10 =	vsub.f32 v11, v13  }
0xf8: {  	v12 =	vsub.f32 v12, v14;
	v13 =	vsub.f32 v15, v16;
	v11 =	vld [tilespmem:s6+$0x8570];
	v14 =	vmul.f32 v32, v32  }
0xf9: {  	v15 =	vsub.f32 v23, v19;
	v16 =	vsub.f32 v25, v29;
	v23 =	vmul.f32 v31, v31;
	v19 =	vld [tilespmem:s6+$0x930]  }
0xfa: {  	v24 =	vsub.f32 v24, v28;
	v12 =	vmul.f32 v12, v12;
	v13 =	vmul.f32 v13, v13;
	v25 =	vld [tilespmem:s6+$0x8930]  }
0xfb: {  	v17 =	vsub.f32 v17, v20;
	v15 =	vmul.f32 v15, v15;
	v16 =	vmul.f32 v16, v16  }
0xfc: {  	v18 =	vsub.f32 v18, v22;
	v20 =	vmul.f32 v24, v24;
	v21 =	vsub.f32 v21, v26  }
0xfd: {  	v17 =	vmul.f32 v17, v17;
	v22 =	vsub.f32 v27, v30;
	v11 =	vsub.f32 v33, v11  }
0xfe: {  	v7 =	vsub.f32 v7, v8;
	v18 =	vmul.f32 v18, v18;
	v21 =	vmul.f32 v21, v21  }
0xff: {  	v8 =	vmul.f32 v22, v22;
	v11 =	vmul.f32 v11, v11;
	v19 =	vsub.f32 v19, v25  }
0x100: {  	v7 =	vmul.f32 v7, v7;
	v15 =	vadd.f32 v16, v15;
	v16 =	vadd.f32 v17, v20  }
0x101: {  	v17 =	vadd.f32 v21, v18;
	v8 =	vadd.f32 v11, v8;
	v11 =	vmul.f32 v19, v19  }
0x102: {  	v9 =	vmul.f32 v9, v9;
	v12 =	vadd.f32 v12, v15;
	v13 =	vadd.f32 v13, v16  }
0x103: {  	v10 =	vmul.f32 v10, v10;
	v7 =	vadd.f32 v7, v17;
	v8 =	vadd.f32 v11, v8  }
0x104: {  	v11 =	vadd.f32 v14, v12;
	v12 =	vadd.f32 v23, v13  }
0x105: {  	v7 =	vadd.f32 v9, v7;
	v8 =	vadd.f32 v10, v8;
	_ =	sdelay $0x1  }
0x106: {  	v9 =	vadd.f32 v12, v11;
	v7 =	vadd.f32 v8, v7  }
0x107: {  	s29 =	sadd.s32 $0x1, s29  }
0x108: {  	p2 =	slt.s32 s29, s23;
	s6 =	simm.f32 $1.000000000e+00;
	v7 =	vadd.f32 v7, v9  }
0x109: {  	s6 =	simm.s32 @!p2 $0x0  }
0x10a: {  	v7 =	vmul.f32 s6, v7;
	_ =	sdelay $0x1  }
0x10b: {  	s2 =	sadd.s32 $0x80, s2;
	v6 =	vadd.f32 v6, v7  }
0x10c: {  	s13 =	sand.u32 $0x380, s2;
	s6 =	sand.u32 $0x2000, s15  }
0x10d: {  	s6 =	sor.u32 s6, s13;
	[tilespmem:$0x0] =	vst v6  }
0x10e: {  	v31 =	vld [tilespmem:s6+$0x940]  }
0x10f: {  	v32 =	vld [tilespmem:s6+$0x8940]  }
0x110: {  	v33 =	vld [tilespmem:s6+$0x950]  }
0x111: {  	v34 =	vld [tilespmem:s6+$0x8950]  }
0x112: {  	v9 =	vld [tilespmem:s6+$0x960]  }
0x113: {  	v10 =	vld [tilespmem:s6+$0x8960]  }
0x114: {  	v11 =	vld [tilespmem:s6+$0x970]  }
0x115: {  	v13 =	vld [tilespmem:s6+$0x8970]  }
0x116: {  	v12 =	vld [tilespmem:s6+$0x900]  }
0x117: {  	v14 =	vld [tilespmem:s6+$0x8900]  }
0x118: {  	v15 =	vld [tilespmem:s6+$0x910]  }
0x119: {  	v16 =	vld [tilespmem:s6+$0x8910]  }
0x11a: {  	v7 =	vld [tilespmem:s6+$0x920]  }
0x11b: {  	v8 =	vld [tilespmem:s6+$0x8920]  }
0x11c: {  	v19 =	vld [tilespmem:s6+$0x8500]  }
0x11d: {  	v23 =	vld [tilespmem:s6+$0x500]  }
0x11e: {  	v25 =	vld [tilespmem:s6+$0x540]  }
0x11f: {  	v29 =	vld [tilespmem:s6+$0x8540]  }
0x120: {  	v24 =	vld [tilespmem:s6+$0x510]  }
0x121: {  	v28 =	vld [tilespmem:s6+$0x8510]  }
0x122: {  	v17 =	vld [tilespmem:s6+$0x550]  }
0x123: {  	v20 =	vld [tilespmem:s6+$0x8550]  }
0x124: {  	v18 =	vld [tilespmem:s6+$0x520]  }
.Ltmp6:
0x125: {  	v22 =	vld [tilespmem:s6+$0x8520];
	(pc) =	sbr.rel @p1 .LBB2_6-.Ltmp6, $4  }
0x126: {  	v21 =	vld [tilespmem:s6+$0x560]  }
0x127: {  	v26 =	vld [tilespmem:s6+$0x8560]  }
0x128: {  	v27 =	vld [tilespmem:s6+$0x530]  }
0x129: {  	s15 =	sadd.s32 $0x400, s15;
	v32 =	vsub.f32 v31, v32;
	v31 =	vsub.f32 v33, v34;
	v30 =	vld [tilespmem:s6+$0x8530]  }
0x12a: {  	v9 =	vsub.f32 v9, v10  }
0x12b: {  	v33 =	vld [tilespmem:s6+$0x570];
	v46 =	vsub.f32 v11, v13;
	v12 =	vsub.f32 v12, v14  }
0x12c: {  	v47 =	vld [tilespmem:s6+$0x8570];
	v48 =	vsub.f32 v15, v16;
	v50 =	vsub.f32 v23, v19  }
0x12d: {  	v51 =	vsub.f32 v25, v29;
	v52 =	vld [tilespmem:s6+$0x930];
	v24 =	vsub.f32 v24, v28;
	v49 =	vmul.f32 v32, v32  }
0x12e: {  	v54 =	vld [tilespmem:s6+$0x8930];
	v17 =	vsub.f32 v17, v20;
	v53 =	vmul.f32 v31, v31;
	v12 =	vmul.f32 v12, v12  }
0x12f: {  	v18 =	vsub.f32 v18, v22;
	v13 =	vmul.f32 v48, v48;
	v15 =	vmul.f32 v50, v50  }
0x130: {  	v16 =	vmul.f32 v51, v51;
	v55 =	vmul.f32 v24, v24;
	v21 =	vsub.f32 v21, v26  }
0x131: {  	v17 =	vmul.f32 v17, v17;
	v56 =	vsub.f32 v27, v30;
	v11 =	vsub.f32 v33, v47  }
0x132: {  	v7 =	vsub.f32 v7, v8;
	v18 =	vmul.f32 v18, v18;
	v21 =	vmul.f32 v21, v21  }
0x133: {  	v19 =	vsub.f32 v52, v54;
	v57 =	vmul.f32 v56, v56;
	v11 =	vmul.f32 v11, v11  }
0x134: {  	v7 =	vmul.f32 v7, v7;
	v15 =	vadd.f32 v16, v15;
	v58 =	vadd.f32 v17, v55  }
0x135: {  	v59 =	vadd.f32 v21, v18;
	v60 =	vmul.f32 v19, v19;
	v8 =	vadd.f32 v11, v57  }
0x136: {  	v9 =	vmul.f32 v9, v9;
	v12 =	vadd.f32 v12, v15;
	v13 =	vadd.f32 v13, v58  }
0x137: {  	v10 =	vmul.f32 v46, v46;
	v7 =	vadd.f32 v7, v59;
	v8 =	vadd.f32 v60, v8  }
0x138: {  	v61 =	vadd.f32 v49, v12;
	v62 =	vadd.f32 v53, v13  }
0x139: {  	v7 =	vadd.f32 v9, v7;
	v8 =	vadd.f32 v10, v8;
	_ =	sdelay $0x1  }
0x13a: {  	v63 =	vadd.f32 v62, v61;
	v7 =	vadd.f32 v8, v7  }
0x13b: {  	s2 =	sadd.s32 $0x1, s29  }
0x13c: {  	p1 =	slt.s32 s2, s23;
	s2 =	simm.f32 $1.000000000e+00;
	v7 =	vadd.f32 v7, v63  }
0x13d: {  	s2 =	simm.s32 @!p1 $0x0  }
0x13e: {  	v7 =	vmul.f32 s2, v7  }
0x13f: {  	s2 =	sadd.s32 $0x2, s31  }
0x140: {  	p1 =	sge.s32 s2, s24;
	v6 =	vadd.f32 v6, v7  }
0x141: {  	s2 =	sshll.u32 @!p1 s2, $0x6  }
0x142: {  	s2 =	sshra.s32 @!p1 s2, $0x2;
	[tilespmem:$0x0] =	vst v6  }
0x143: {  	v6 =	vld @!p1 [tilespmem:s2+$0x280];
	_ =	sdelay $0x4  }
0x144: {  	v7 =	vshll.u32 @!p1 v6, $0x3  }
0x145: {  	v8 =	vlaneseq.u32 @!p1;
	v6 =	vand.u32 @!p1 $0x7, v6;
	v7 =	vand.u32 @!p1 $0xFFFFFFC0, v7  }
0x146: {  	v9 =	vshrl.u32 @!p1 v8, $0x3;
	v6 =	vor.u32 @!p1 v6, v7;
	v7 =	vand.u32 @!p1 $0x7, v8  }
0x147: {  	v9 =	vmul.u32 @!p1 $0x8, v9;
	v10 =	vperm.xlane @!p1 v6, v7;
	_ =	sdelay $0x1  }
0x148: {  	v10 =	vadd.s32 @!p1 v9, v10;
	_ =	sdelay $0x3  }
0x149: {  	vm1 =	vmmov @!p1 $0xffff;
	s6 =	simm.s32 @!p1 $0x0;
	s13 =	simm.s32 @!p1 $0x500  }
0x14a: {  	v8 =	vor.u32 @!p1 $0x8, v8;
	[tilespmem:s13], [sflag:$0x2] =	stream.indirect_vreg.gather @!p1 [hbm4b:s1+s6], $0x80, v10, vm1, $0xb8;
	[tilespmem:$0x10500] =	vst v63  }
0x14b: {  	v6 =	vperm.xlane @!p1 v6, v8;
	s13 =	simm.s32 @!p1 $0xD00  }
0x14c: {  	[tilespmem:s13], [sflag:$0x2] =	stream.indirect_vreg.gather @!p1 [hbm4b:s7+s6], $0x80, v10, vm1, $0xb8;
	[tilespmem:$0x10500] =	vst v63  }
0x14d: {  	v6 =	vadd.s32 @!p1 v9, v6;
	s13 =	simm.s32 @!p1 $0x1500  }
0x14e: {  	[tilespmem:s13], [sflag:$0x2] =	stream.indirect_vreg.gather @!p1 [hbm4b:s8+s6], $0x80, v10, vm1, $0xb8;
	[tilespmem:$0x10500] =	vst v63  }
0x14f: {  	s13 =	simm.s32 @!p1 $0x1D00  }
0x150: {  	[tilespmem:s13], [sflag:$0x2] =	stream.indirect_vreg.gather @!p1 [hbm4b:s9+s6], $0x80, v10, vm1, $0xb8;
	[tilespmem:$0x10500] =	vst v63  }
0x151: {  	s13 =	simm.s32 @!p1 $0x2500  }
0x152: {  	[tilespmem:s13], [sflag:$0x2] =	stream.indirect_vreg.gather @!p1 [hbm4b:s1+s6], $0x80, v6, vm1, $0xb8;
	[tilespmem:$0x10500] =	vst v63  }
0x153: {  	s13 =	simm.s32 @!p1 $0x2D00  }
0x154: {  	[tilespmem:s13], [sflag:$0x2] =	stream.indirect_vreg.gather @!p1 [hbm4b:s7+s6], $0x80, v6, vm1, $0xb8;
	[tilespmem:$0x10500] =	vst v63  }
0x155: {  	s13 =	simm.s32 @!p1 $0x3500  }
0x156: {  	[tilespmem:s13], [sflag:$0x2] =	stream.indirect_vreg.gather @!p1 [hbm4b:s8+s6], $0x80, v6, vm1, $0xb8;
	[tilespmem:$0x10500] =	vst v63  }
0x157: {  	s13 =	simm.s32 @!p1 $0x3D00  }
0x158: {  	[tilespmem:s13], [sflag:$0x2] =	stream.indirect_vreg.gather @!p1 [hbm4b:s9+s6], $0x80, v6, vm1, $0xb8;
	[tilespmem:$0x10500] =	vst v63  }
0x159: {  	v6 =	vld @!p1 [tilespmem:s2+$0x280];
	_ =	sdelay $0x4  }
0x15a: {  	v10 =	vshll.u32 @!p1 v6, $0x3  }
0x15b: {  	v6 =	vand.u32 @!p1 $0x7, v6;
	v10 =	vand.u32 @!p1 $0xFFFFFFC0, v10  }
0x15c: {  	v6 =	vor.u32 @!p1 v6, v10  }
0x15d: {  	v7 =	vperm.xlane @!p1 v6, v7;
	_ =	sdelay $0x1  }
0x15e: {  	v7 =	vadd.s32 @!p1 v9, v7;
	_ =	sdelay $0x3  }
0x15f: {  	s2 =	simm.s32 @!p1 $0x8500  }
0x160: {  	[tilespmem:s2], [sflag:$0x4] =	stream.indirect_vreg.gather @!p1 [hbm4b:s3+s6], $0x80, v7, vm1, $0xb8;
	[tilespmem:$0x10500] =	vst v63  }
0x161: {  	v6 =	vperm.xlane @!p1 v6, v8;
	s2 =	simm.s32 @!p1 $0x8D00  }
0x162: {  	[tilespmem:s2], [sflag:$0x4] =	stream.indirect_vreg.gather @!p1 [hbm4b:s10+s6], $0x80, v7, vm1, $0xb8;
	[tilespmem:$0x10500] =	vst v63  }
0x163: {  	v6 =	vadd.s32 @!p1 v9, v6;
	s2 =	simm.s32 @!p1 $0x9500  }
0x164: {  	[tilespmem:s2], [sflag:$0x4] =	stream.indirect_vreg.gather @!p1 [hbm4b:s11+s6], $0x80, v7, vm1, $0xb8;
	[tilespmem:$0x10500] =	vst v63  }
0x165: {  	s2 =	simm.s32 @!p1 $0x9D00  }
0x166: {  	[tilespmem:s2], [sflag:$0x4] =	stream.indirect_vreg.gather @!p1 [hbm4b:s12+s6], $0x80, v7, vm1, $0xb8;
	[tilespmem:$0x10500] =	vst v63  }
0x167: {  	s2 =	simm.s32 @!p1 $0xA500  }
0x168: {  	[tilespmem:s2], [sflag:$0x4] =	stream.indirect_vreg.gather @!p1 [hbm4b:s3+s6], $0x80, v6, vm1, $0xb8;
	[tilespmem:$0x10500] =	vst v63  }
0x169: {  	s2 =	simm.s32 @!p1 $0xAD00  }
0x16a: {  	[tilespmem:s2], [sflag:$0x4] =	stream.indirect_vreg.gather @!p1 [hbm4b:s10+s6], $0x80, v6, vm1, $0xb8;
	[tilespmem:$0x10500] =	vst v63  }
.Ltmp7:
0x16b: {  	_ = 	snop;
	(pc) =	sbr.rel @p0 .LBB2_11-.Ltmp7, $4  }
0x16c: {  	s2 =	simm.s32 @!p1 $0xB500  }
0x16d: {  	[tilespmem:s2], [sflag:$0x4] =	stream.indirect_vreg.gather @!p1 [hbm4b:s11+s6], $0x80, v6, vm1, $0xb8;
	[tilespmem:$0x10500] =	vst v63  }
0x16e: {  	s2 =	simm.s32 @!p1 $0xBD00  }
0x16f: {  	[tilespmem:s2], [sflag:$0x4] =	stream.indirect_vreg.gather @!p1 [hbm4b:s12+s6], $0x80, v6, vm1, $0xb8;
	[tilespmem:$0x10500] =	vst v63  }
0x170: {  	_ =	swait.ge [sflag:s19], $0x4000  }
0x171: {  	[sflag:s19] =	ssyncset.done $0x0  }
0x172: {  	[sflag:s19] =	ssyncadd.s32 $0xFFFFC000  }
0x173: {  	s2 =	simm.s32 $0x0;
	_ =	swait.ge [sflag:s20], $0x4000  }
0x174: {  	s6 =	sand.u32 $0x2000, s2;
	s2 =	sand.u32 $0x380, s2;
	[sflag:s20] =	ssyncset.done $0x0  }
0x175: {  	s2 =	sor.u32 s6, s2;
	[sflag:s20] =	ssyncadd.s32 $0xFFFFC000  }
0x176: {  	v6 =	vld [tilespmem:s2+$0x4940]  }
0x177: {  	v7 =	vld [tilespmem:s2+$0xC940]  }
0x178: {  	v8 =	vld [tilespmem:s2+$0x4950]  }
0x179: {  	v9 =	vld [tilespmem:s2+$0xC950]  }
0x17a: {  	v10 =	vld [tilespmem:s2+$0x4960]  }
0x17b: {  	v11 =	vld [tilespmem:s2+$0xC960]  }
0x17c: {  	v12 =	vld [tilespmem:s2+$0x4970]  }
0x17d: {  	v13 =	vld [tilespmem:s2+$0xC970]  }
0x17e: {  	v14 =	vld [tilespmem:s2+$0x4900]  }
0x17f: {  	v15 =	vld [tilespmem:s2+$0xC900]  }
0x180: {  	v16 =	vld [tilespmem:s2+$0x4910]  }
0x181: {  	v17 =	vld [tilespmem:s2+$0xC910]  }
0x182: {  	v18 =	vld [tilespmem:s2+$0x4920]  }
0x183: {  	v19 =	vld [tilespmem:s2+$0xC920]  }
0x184: {  	v20 =	vld [tilespmem:s2+$0xC500]  }
0x185: {  	v21 =	vld [tilespmem:s2+$0x4500]  }
0x186: {  	v22 =	vld [tilespmem:s2+$0x4540]  }
0x187: {  	v23 =	vld [tilespmem:s2+$0xC540]  }
0x188: {  	v24 =	vld [tilespmem:s2+$0x4510]  }
0x189: {  	v25 =	vld [tilespmem:s2+$0xC510]  }
0x18a: {  	v26 =	vld [tilespmem:s2+$0x4550]  }
0x18b: {  	v27 =	vld [tilespmem:s2+$0xC550]  }
0x18c: {  	v28 =	vld [tilespmem:s2+$0x4520]  }
0x18d: {  	v29 =	vld [tilespmem:s2+$0xC520]  }
0x18e: {  	v30 =	vld [tilespmem:s2+$0x4560]  }
0x18f: {  	v31 =	vld [tilespmem:s2+$0xC560];
	v6 =	vsub.f32 v6, v7  }
0x190: {  	v32 =	vld [tilespmem:s2+$0x4530];
	v7 =	vsub.f32 v8, v9;
	v9 =	vsub.f32 v10, v11  }
0x191: {  	v33 =	vld [tilespmem:s2+$0xC530];
	v10 =	vsub.f32 v12, v13;
	v12 =	vsub.f32 v14, v15  }
0x192: {  	v8 =	vld [tilespmem:s2+$0x4570];
	v13 =	vsub.f32 v16, v17;
	v14 =	vsub.f32 v21, v20  }
0x193: {  	v11 =	vld [tilespmem:s2+$0xC570];
	v15 =	vsub.f32 v22, v23;
	v17 =	vsub.f32 v24, v25  }
0x194: {  	v16 =	vld [tilespmem:s2+$0x4930];
	v21 =	vsub.f32 v26, v27;
	v22 =	vsub.f32 v28, v29  }
0x195: {  	v20 =	vld [tilespmem:s2+$0xC930];
	v23 =	vsub.f32 v30, v31;
	v6 =	vmul.f32 v6, v6;
	v7 =	vmul.f32 v7, v7  }
0x196: {  	v24 =	vsub.f32 v32, v33;
	v12 =	vmul.f32 v12, v12;
	v13 =	vmul.f32 v13, v13  }
0x197: {  	v18 =	vsub.f32 v18, v19;
	v14 =	vmul.f32 v14, v14;
	v15 =	vmul.f32 v15, v15  }
0x198: {  	v17 =	vmul.f32 v17, v17;
	v19 =	vmul.f32 v24, v24;
	v8 =	vsub.f32 v8, v11  }
0x199: {  	v11 =	vmul.f32 v21, v21;
	v21 =	vmul.f32 v22, v22  }
0x19a: {  	v22 =	vmul.f32 v23, v23;
	v16 =	vsub.f32 v16, v20;
	v8 =	vmul.f32 v8, v8  }
0x19b: {  	v14 =	vadd.f32 v15, v14;
	v15 =	vmul.f32 v18, v18;
	v11 =	vadd.f32 v11, v17  }
0x19c: {  	v17 =	vadd.f32 v22, v21;
	v16 =	vmul.f32 v16, v16;
	v8 =	vadd.f32 v8, v19  }
0x19d: {  	v9 =	vmul.f32 v9, v9;
	v12 =	vadd.f32 v12, v14;
	v11 =	vadd.f32 v13, v11  }
0x19e: {  	v10 =	vmul.f32 v10, v10;
	v13 =	vadd.f32 v15, v17;
	v8 =	vadd.f32 v16, v8  }
0x19f: {  	v6 =	vadd.f32 v6, v12;
	v7 =	vadd.f32 v7, v11  }
0x1a0: {  	v9 =	vadd.f32 v9, v13;
	v8 =	vadd.f32 v10, v8;
	_ =	sdelay $0x1  }
0x1a1: {  	v6 =	vadd.f32 v7, v6;
	v7 =	vadd.f32 v8, v9  }
0x1a2: {  	v8 =	vld [tilespmem:$0x0]  }
0x1a3: {  	p0 =	slt.s32 s28, s23;
	s2 =	simm.f32 $1.000000000e+00;
	v6 =	vadd.f32 v7, v6  }
0x1a4: {  	s2 =	simm.s32 @!p0 $0x0  }
0x1a5: {  	v6 =	vmul.f32 s2, v6;
	_ =	sdelay $0x1  }
0x1a6: {  	s31 =	simm.s32 $0x400;
	s2 =	simm.s32 $0x80;
	v6 =	vadd.f32 v8, v6  }
0x1a7: {  	s6 =	sand.u32 $0x2000, s31;
	s13 =	sand.u32 $0x380, s2  }
0x1a8: {  	s6 =	sor.u32 s6, s13;
	[tilespmem:$0x0] =	vst v6  }
0x1a9: {  	v31 =	vld [tilespmem:s6+$0x4940]  }
0x1aa: {  	v62 =	vld [tilespmem:s6+$0xC940]  }
0x1ab: {  	v63 =	vld [tilespmem:s6+$0x4950]  }
0x1ac: {  	v34 =	vld [tilespmem:s6+$0xC950]  }
0x1ad: {  	v9 =	vld [tilespmem:s6+$0x4960]  }
0x1ae: {  	v10 =	vld [tilespmem:s6+$0xC960]  }
0x1af: {  	v11 =	vld [tilespmem:s6+$0x4970]  }
0x1b0: {  	v13 =	vld [tilespmem:s6+$0xC970]  }
0x1b1: {  	v12 =	vld [tilespmem:s6+$0x4900]  }
0x1b2: {  	v14 =	vld [tilespmem:s6+$0xC900]  }
0x1b3: {  	v15 =	vld [tilespmem:s6+$0x4910]  }
0x1b4: {  	v16 =	vld [tilespmem:s6+$0xC910]  }
0x1b5: {  	v7 =	vld [tilespmem:s6+$0x4920]  }
0x1b6: {  	v8 =	vld [tilespmem:s6+$0xC920]  }
0x1b7: {  	v19 =	vld [tilespmem:s6+$0xC500]  }
0x1b8: {  	v23 =	vld [tilespmem:s6+$0x4500]  }
0x1b9: {  	v25 =	vld [tilespmem:s6+$0x4540]  }
0x1ba: {  	v29 =	vld [tilespmem:s6+$0xC540]  }
0x1bb: {  	v24 =	vld [tilespmem:s6+$0x4510]  }
0x1bc: {  	v28 =	vld [tilespmem:s6+$0xC510]  }
0x1bd: {  	v17 =	vld [tilespmem:s6+$0x4550]  }
0x1be: {  	v20 =	vld [tilespmem:s6+$0xC550]  }
0x1bf: {  	v18 =	vld [tilespmem:s6+$0x4520]  }
0x1c0: {  	v22 =	vld [tilespmem:s6+$0xC520]  }
0x1c1: {  	v21 =	vld [tilespmem:s6+$0x4560]  }
0x1c2: {  	v26 =	vld [tilespmem:s6+$0xC560]  }
0x1c3: {  	v27 =	vld [tilespmem:s6+$0x4530]  }
0x1c4: {  	s15 =	simm.s32 $0x800;
	s29 =	smov.u32 s28;
	v30 =	vld [tilespmem:s6+$0xC530];
	v32 =	vsub.f32 v31, v62;
	v31 =	vsub.f32 v63, v34  }
.LBB2_9:
0x1c5: {  	p0 =	sne.s32 s15, $0x3C00;
	v33 =	vld [tilespmem:s6+$0x4570];
	v9 =	vsub.f32 v9, v10;
	v10 =	vsub.f32 v11, v13  }
0x1c6: {  	v12 =	vsub.f32 v12, v14;
	v13 =	vsub.f32 v15, v16;
	v11 =	vld [tilespmem:s6+$0xC570];
	v14 =	vmul.f32 v32, v32  }
0x1c7: {  	v15 =	vsub.f32 v23, v19;
	v16 =	vsub.f32 v25, v29;
	v23 =	vmul.f32 v31, v31;
	v19 =	vld [tilespmem:s6+$0x4930]  }
0x1c8: {  	v24 =	vsub.f32 v24, v28;
	v12 =	vmul.f32 v12, v12;
	v13 =	vmul.f32 v13, v13;
	v25 =	vld [tilespmem:s6+$0xC930]  }
0x1c9: {  	v17 =	vsub.f32 v17, v20;
	v15 =	vmul.f32 v15, v15;
	v16 =	vmul.f32 v16, v16  }
0x1ca: {  	v18 =	vsub.f32 v18, v22;
	v20 =	vmul.f32 v24, v24;
	v21 =	vsub.f32 v21, v26  }
0x1cb: {  	v17 =	vmul.f32 v17, v17;
	v22 =	vsub.f32 v27, v30;
	v11 =	vsub.f32 v33, v11  }
0x1cc: {  	v7 =	vsub.f32 v7, v8;
	v18 =	vmul.f32 v18, v18;
	v21 =	vmul.f32 v21, v21  }
0x1cd: {  	v8 =	vmul.f32 v22, v22;
	v11 =	vmul.f32 v11, v11;
	v19 =	vsub.f32 v19, v25  }
0x1ce: {  	v7 =	vmul.f32 v7, v7;
	v15 =	vadd.f32 v16, v15;
	v16 =	vadd.f32 v17, v20  }
0x1cf: {  	v17 =	vadd.f32 v21, v18;
	v8 =	vadd.f32 v11, v8;
	v11 =	vmul.f32 v19, v19  }
0x1d0: {  	v9 =	vmul.f32 v9, v9;
	v12 =	vadd.f32 v12, v15;
	v13 =	vadd.f32 v13, v16  }
0x1d1: {  	v10 =	vmul.f32 v10, v10;
	v7 =	vadd.f32 v7, v17;
	v8 =	vadd.f32 v11, v8  }
0x1d2: {  	v11 =	vadd.f32 v14, v12;
	v12 =	vadd.f32 v23, v13  }
0x1d3: {  	v7 =	vadd.f32 v9, v7;
	v8 =	vadd.f32 v10, v8;
	_ =	sdelay $0x1  }
0x1d4: {  	v9 =	vadd.f32 v12, v11;
	v7 =	vadd.f32 v8, v7  }
0x1d5: {  	s29 =	sadd.s32 $0x1, s29  }
0x1d6: {  	p1 =	slt.s32 s29, s23;
	s6 =	simm.f32 $1.000000000e+00;
	v7 =	vadd.f32 v7, v9  }
0x1d7: {  	s6 =	simm.s32 @!p1 $0x0  }
0x1d8: {  	v7 =	vmul.f32 s6, v7;
	_ =	sdelay $0x1  }
0x1d9: {  	s2 =	sadd.s32 $0x80, s2;
	v6 =	vadd.f32 v6, v7  }
0x1da: {  	s13 =	sand.u32 $0x380, s2;
	s6 =	sand.u32 $0x2000, s15  }
0x1db: {  	s6 =	sor.u32 s6, s13;
	[tilespmem:$0x0] =	vst v6  }
0x1dc: {  	v31 =	vld [tilespmem:s6+$0x4940]  }
0x1dd: {  	v32 =	vld [tilespmem:s6+$0xC940]  }
0x1de: {  	v33 =	vld [tilespmem:s6+$0x4950]  }
0x1df: {  	v34 =	vld [tilespmem:s6+$0xC950]  }
0x1e0: {  	v9 =	vld [tilespmem:s6+$0x4960]  }
0x1e1: {  	v10 =	vld [tilespmem:s6+$0xC960]  }
0x1e2: {  	v11 =	vld [tilespmem:s6+$0x4970]  }
0x1e3: {  	v13 =	vld [tilespmem:s6+$0xC970]  }
0x1e4: {  	v12 =	vld [tilespmem:s6+$0x4900]  }
0x1e5: {  	v14 =	vld [tilespmem:s6+$0xC900]  }
0x1e6: {  	v15 =	vld [tilespmem:s6+$0x4910]  }
0x1e7: {  	v16 =	vld [tilespmem:s6+$0xC910]  }
0x1e8: {  	v7 =	vld [tilespmem:s6+$0x4920]  }
0x1e9: {  	v8 =	vld [tilespmem:s6+$0xC920]  }
0x1ea: {  	v19 =	vld [tilespmem:s6+$0xC500]  }
0x1eb: {  	v23 =	vld [tilespmem:s6+$0x4500]  }
0x1ec: {  	v25 =	vld [tilespmem:s6+$0x4540]  }
0x1ed: {  	v29 =	vld [tilespmem:s6+$0xC540]  }
0x1ee: {  	v24 =	vld [tilespmem:s6+$0x4510]  }
0x1ef: {  	v28 =	vld [tilespmem:s6+$0xC510]  }
0x1f0: {  	v17 =	vld [tilespmem:s6+$0x4550]  }
0x1f1: {  	v20 =	vld [tilespmem:s6+$0xC550]  }
0x1f2: {  	v18 =	vld [tilespmem:s6+$0x4520]  }
.Ltmp8:
0x1f3: {  	v22 =	vld [tilespmem:s6+$0xC520];
	(pc) =	sbr.rel @p0 .LBB2_9-.Ltmp8, $4  }
0x1f4: {  	v21 =	vld [tilespmem:s6+$0x4560]  }
0x1f5: {  	v26 =	vld [tilespmem:s6+$0xC560]  }
0x1f6: {  	v27 =	vld [tilespmem:s6+$0x4530]  }
0x1f7: {  	s15 =	sadd.s32 $0x400, s15;
	v32 =	vsub.f32 v31, v32;
	v31 =	vsub.f32 v33, v34;
	v30 =	vld [tilespmem:s6+$0xC530]  }
0x1f8: {  	v9 =	vsub.f32 v9, v10  }
0x1f9: {  	v33 =	vld [tilespmem:s6+$0x4570];
	v46 =	vsub.f32 v11, v13;
	v12 =	vsub.f32 v12, v14  }
0x1fa: {  	v47 =	vld [tilespmem:s6+$0xC570];
	v48 =	vsub.f32 v15, v16;
	v50 =	vsub.f32 v23, v19  }
0x1fb: {  	v51 =	vsub.f32 v25, v29;
	v52 =	vld [tilespmem:s6+$0x4930];
	v24 =	vsub.f32 v24, v28;
	v49 =	vmul.f32 v32, v32  }
0x1fc: {  	v54 =	vld [tilespmem:s6+$0xC930];
	v17 =	vsub.f32 v17, v20;
	v53 =	vmul.f32 v31, v31;
	v12 =	vmul.f32 v12, v12  }
0x1fd: {  	v18 =	vsub.f32 v18, v22;
	v13 =	vmul.f32 v48, v48;
	v15 =	vmul.f32 v50, v50  }
0x1fe: {  	v16 =	vmul.f32 v51, v51;
	v55 =	vmul.f32 v24, v24;
	v21 =	vsub.f32 v21, v26  }
0x1ff: {  	v17 =	vmul.f32 v17, v17;
	v56 =	vsub.f32 v27, v30;
	v11 =	vsub.f32 v33, v47  }
0x200: {  	v7 =	vsub.f32 v7, v8;
	v18 =	vmul.f32 v18, v18;
	v21 =	vmul.f32 v21, v21  }
0x201: {  	v19 =	vsub.f32 v52, v54;
	v57 =	vmul.f32 v56, v56;
	v11 =	vmul.f32 v11, v11  }
0x202: {  	v7 =	vmul.f32 v7, v7;
	v15 =	vadd.f32 v16, v15;
	v58 =	vadd.f32 v17, v55  }
0x203: {  	v59 =	vadd.f32 v21, v18;
	v60 =	vmul.f32 v19, v19;
	v8 =	vadd.f32 v11, v57  }
0x204: {  	v9 =	vmul.f32 v9, v9;
	v12 =	vadd.f32 v12, v15;
	v13 =	vadd.f32 v13, v58  }
0x205: {  	v10 =	vmul.f32 v46, v46;
	v7 =	vadd.f32 v7, v59;
	v8 =	vadd.f32 v60, v8  }
0x206: {  	v61 =	vadd.f32 v49, v12;
	v62 =	vadd.f32 v53, v13  }
0x207: {  	v7 =	vadd.f32 v9, v7;
	v8 =	vadd.f32 v10, v8;
	_ =	sdelay $0x1  }
0x208: {  	v63 =	vadd.f32 v62, v61;
	v7 =	vadd.f32 v8, v7  }
0x209: {  	s2 =	sadd.s32 $0x1, s29  }
0x20a: {  	p0 =	slt.s32 s2, s23;
	s2 =	simm.f32 $1.000000000e+00;
	v7 =	vadd.f32 v7, v63  }
0x20b: {  	s2 =	simm.s32 @!p0 $0x0  }
.Ltmp9:
0x20c: {  	v7 =	vmul.f32 s2, v7;
	(pc) =	sbr.rel .LBB2_11-.Ltmp9, $3  }
0x20d: {  	_ = 	snop  }
0x20e: {  	v6 =	vadd.f32 v6, v7;
	_ =	sdelay $0x1  }
0x20f: {  	[tilespmem:$0x0] =	vst v6  }
.LBB2_13:
0x210: {  	_ =	sfence.sel $0x180000  }
0x211: {  	[bflag:$0x0] =	sbarrier.arrive $0xFFFF  }
0x212: {  	_ =	strace $0x90000047  }
0x213: {  	s0 =	stileid.u32;
	[bflag:$0x2] =	sbarrier.arrive $0xFFFF  }
0x214: {  	p0 =	sne.s32 s0, $0x0;
	s0 =	rddreg [dreg:$0x3]  }
0x215: {  	s0 =	sadd.s32 @!p0 $0x100000, s0  }
0x216: {  	[sflag:s0] =	ssyncadd.tile.s32 @!p0 $0x1;
	_ =	shalt  }
.Lfunc_end2:
_tile_overlayer_lowered:
.L_overlay_start_2:
0x217: {  	(tag) =	ssettag $0x2  }
0x218: {  	s0 =	rddreg [dreg:$0x0];
	s2 =	stileid.u32  }
0x219: {  	s1 =	rddreg [dreg:$0x1];
	p0 =	sne.s32 s2, $0x0  }
0x21a: {  	s3 =	rddreg [dreg:$0x2];
	[bflag:$0x3] =	sbarrier.arrive $0xFFFF;
	s2 =	simm.s32 @!p0 $0x1C06  }
0x21b: {  	[timem:s3], [sflag:s2] =	dma.local @!p0 [hbm:s0], s1  }
0x21c: {  	s0 =	simm.s32 @!p0 $0x6  }
0x21d: {  	_ =	swait.ge @!p0 [sflag:s0], s1  }
0x21e: {  	s1 =	ssub.s32 @!p0 $0x0, s1;
	[sflag:s0] =	ssyncset.done @!p0 $0x0  }
0x21f: {  	[sflag:s0] =	ssyncadd.s32 @!p0 s1  }
0x220: {  	[bflag:$0x3] =	sbarrier.arrive $0xFFFF  }
0x221: {  	_ =	shalt  }

</sc_bundles>
